<compile_context>
chip_gen: v7x
topology: tpu7x:2x2x1
jax: 0.10.2.dev20260603
libtpu: 0.0.44.dev20260713+nightly
codegen_flags: <defaults>
</compile_context>

<pallas_src>
import functools

import jax
import jax.numpy as jnp
from jax import lax
from jax.experimental import pallas as pl
from jax.experimental.pallas import tpu as pltpu
from jax.experimental.pallas import tpu_sc as plsc

VOCAB = 1000000
D = 64
BATCH = 16384
EPS = 1e-10

NW = 32
ROWS_W = BATCH // NW
CL = 8
NCHUNK = ROWS_W // CL
NFETCH = 5 * CL
NIDX = ROWS_W * 5
LANES = 16
GRP = 8


def _rsqrt_nr(x):
    i = lax.bitcast_convert_type(x, jnp.int32)
    i = jnp.int32(0x5F3759DF) - lax.shift_right_logical(i, 1)
    y = lax.bitcast_convert_type(i, jnp.float32)
    for _ in range(3):
        y = y * (1.5 - 0.5 * x * y * y)
    return y


def _make_sc_kernel():
    mesh = plsc.VectorSubcoreMesh(core_axis_name="c", subcore_axis_name="s")

    @functools.partial(
        pl.kernel,
        mesh=mesh,
        compiler_params=pltpu.CompilerParams(
            needs_layout_passes=False, use_tc_tiling_on_sc=True),
        out_type=jax.ShapeDtypeStruct((BATCH * 3,), jnp.float32),
        scratch_types=[
            pltpu.VMEM((NIDX + LANES,), jnp.int32),
            pltpu.VMEM((NFETCH, GRP, D), jnp.float32),
            pltpu.VMEM((NFETCH, GRP, D), jnp.float32),
            pltpu.VMEM((7 * 2 * CL,), jnp.float32),
            pltpu.VMEM((3 * 2 * CL,), jnp.float32),
            pltpu.SemaphoreType.DMA,
            pltpu.SemaphoreType.DMA,
        ],
    )
    def sc_fn(idx_hbm, table_hbm, out_hbm, idxall, gbuf0, gbuf1,
              stats, outbuf, sem0, sem1):
        wid = lax.axis_index("s") * 2 + lax.axis_index("c")
        base_row = wid * ROWS_W
        pltpu.sync_copy(idx_hbm.at[pl.ds(base_row * 5, NIDX)],
                        idxall.at[pl.ds(0, NIDX)])

        def issue(c, gb, sem):
            def jbody(j, carry):
                iv = idxall[pl.ds(c * NFETCH + 5 * j, LANES)]
                for o in range(5):
                    pltpu.async_copy(
                        table_hbm.at[iv[o] >> 3], gb.at[5 * j + o], sem)
                return carry
            lax.fori_loop(0, CL, jbody, 0)

        def drain(gb, sem):
            pltpu.make_async_copy(table_hbm.at[0], gb, sem).wait()

        def phase_a(c, gb, off):
            lane = lax.iota(jnp.int32, LANES)
            m15 = lane == (LANES - 1)

            def row(j, carry):
                iv = idxall[pl.ds(c * NFETCH + 5 * j, LANES)]
                cb = jnp.full((LANES,), j + off, jnp.int32)

                def put(k, vec):
                    tot = jnp.cumsum(vec)
                    plsc.store_scatter(
                        stats, [cb + (k * 2 * CL)], tot, mask=m15)

                rx = iv[0] & (GRP - 1)
                ry = iv[1] & (GRP - 1)
                hv = []
                hh = None
                for k in range(D // LANES):
                    x = gb[5 * j, rx, pl.ds(LANES * k, LANES)]
                    y = gb[5 * j + 1, ry, pl.ds(LANES * k, LANES)]
                    h = x - y
                    hv.append(h)
                    hh = h * h if hh is None else hh + h * h
                put(0, hh)
                for i in range(3):
                    rsel = iv[2 + i] & (GRP - 1)
                    dv = None
                    rv = None
                    for k in range(D // LANES):
                        r = gb[5 * j + 2 + i, rsel,
                               pl.ds(LANES * k, LANES)]
                        dv = hv[k] * r if dv is None else dv + hv[k] * r
                        rv = r * r if rv is None else rv + r * r
                    put(1 + i, dv)
                    put(4 + i, rv)
                return carry

            lax.fori_loop(0, CL, row, 0)

        def phase_b(tp):
            lane = lax.iota(jnp.int32, LANES)
            hh = stats[pl.ds(0, LANES)]
            nh = jnp.maximum(hh * _rsqrt_nr(hh), EPS)
            ob = lane * 3
            for i in range(3):
                dd = stats[pl.ds((1 + i) * 2 * CL, LANES)]
                rr = stats[pl.ds((4 + i) * 2 * CL, LANES)]
                nr = jnp.maximum(rr * _rsqrt_nr(rr), EPS)
                plsc.store_scatter(outbuf, [ob + i], dd / (nh * nr))
            pltpu.sync_copy(
                outbuf,
                out_hbm.at[pl.ds((base_row + tp * 2 * CL) * 3, 6 * CL)])

        issue(0, gbuf0, sem0)

        def pair(tp, carry):
            c0 = 2 * tp
            issue(c0 + 1, gbuf1, sem1)
            drain(gbuf0, sem0)
            phase_a(c0, gbuf0, 0)

            @pl.when(c0 + 2 < NCHUNK)
            def _():
                issue(c0 + 2, gbuf0, sem0)

            drain(gbuf1, sem1)
            phase_a(c0 + 1, gbuf1, CL)
            phase_b(tp)
            return carry

        lax.fori_loop(0, NCHUNK // 2, pair, 0)

    return sc_fn


_SC_KERNEL = _make_sc_kernel()


def kernel(input, onepole, four, table):
    idx_flat = input.astype(jnp.int32).reshape(-1)
    table3 = table.reshape(VOCAB // GRP, GRP, D)
    out_flat = _SC_KERNEL(idx_flat, table3)
    return out_flat.reshape(BATCH, 3)

# --- scband reference (transcript-rebuilt; emitter-appended) ---
"""Pipeline reference for scband-emb-similarity-36550171689019 (READ-ONLY COPY).

The authoritative reference and input builder live on the scoring server;
editing this copy changes nothing except your own understanding.
"""

import jax, jax.numpy as jnp
import numpy as np

VOCAB = 1000000
EMB_DIM = 64
BATCH = 16384
EPS = 1e-10


def setup_inputs(seed: int = 0) -> dict:
    key = jax.random.key(seed)
    k1, k2 = jax.random.split(key)
    table = jax.random.normal(k1, (VOCAB, EMB_DIM), dtype=jnp.float32)
    inp = jax.random.randint(k2, (BATCH, 5), 0, VOCAB, dtype=jnp.int64 if jax.config.jax_enable_x64 else jnp.int32)
    return {"input": inp, "onepole": 1, "four": 4, "table": table}


def _cosine(a, b, eps=EPS):
    # torch.nn.CosineSimilarity: dot / (max(||a||, eps) * max(||b||, eps))
    na = jnp.maximum(jnp.linalg.norm(a, axis=1), eps)
    nb = jnp.maximum(jnp.linalg.norm(b, axis=1), eps)
    return jnp.sum(a * b, axis=1) / (na * nb)


def reference(input, onepole, four, table):
    X = jnp.take(table, input[:, 0], axis=0)
    Y = jnp.take(table, input[:, 1], axis=0)
    R1 = jnp.take(table, input[:, 2], axis=0)
    R2 = jnp.take(table, input[:, 3], axis=0)
    R3 = jnp.take(table, input[:, 4], axis=0)
    h = X - Y
    OR1 = _cosine(h, R1)
    OR2 = _cosine(h, R2)
    OR3 = _cosine(h, R3)
    output = jnp.stack([OR1, OR2, OR3], axis=1)
    return output

if __name__ == "__main__":
    import jax
    _d = setup_inputs()
    print(jax.jit(kernel)(*tuple(_d.values())))

</pallas_src>

<mosaic_0001>
#map = affine_map<(d0, d1) -> (0)>
#map1 = affine_map<(d0, d1) -> (0, 0, 0)>
module attributes {stable_mosaic.version = 14 : i64} {
  func.func @sc_fn(%arg0: i32, %arg1: i32, %arg2: memref<81920xi32, #tpu.memory_space<hbm>>, %arg3: memref<125000x8x64xf32, #tpu.memory_space<hbm>>, %arg4: memref<49152xf32, #tpu.memory_space<hbm>>, %arg5: memref<2576xi32, #tpu.memory_space<vmem>>, %arg6: memref<40x8x64xf32, #tpu.memory_space<vmem>>, %arg7: memref<40x8x64xf32, #tpu.memory_space<vmem>>, %arg8: memref<112xf32, #tpu.memory_space<vmem>>, %arg9: memref<48xf32, #tpu.memory_space<vmem>>, %arg10: memref<!tpu.dma_semaphore, #tpu.memory_space<semaphore_mem>>, %arg11: memref<!tpu.dma_semaphore, #tpu.memory_space<semaphore_mem>>) attributes {dimension_semantics = [#tpu.dimension_semantics<core_parallel>, #tpu.dimension_semantics<subcore_parallel>], iteration_bounds = array<i64: 2, 16>, scalar_prefetch = 0 : i64, scratch_operands = 7 : i64, tpu.core_type = #tpu.core_type<sc_vector_subcore>, window_params = [{transform_indices = #map}, {transform_indices = #map1}, {transform_indices = #map}]} {
    %mul3A = arith.constant 2 : i32
    %mul3A_0 = arith.muli %arg1, %mul3A : i32
    %add3A = arith.addi %mul3A_0, %arg0 : i32
    %mul3A_1 = arith.constant 512 : i32
    %mul3A_2 = arith.muli %add3A, %mul3A_1 : i32
    %mul3A_3 = arith.constant 5 : i32
    %mul3A_4 = arith.muli %mul3A_2, %mul3A_3 : i32
    "tpu.region"() ({
      %run_scoped3A = tpu.sem_alloc : memref<!tpu.dma_semaphore, #tpu.memory_space<semaphore_mem>>
      %dma_start3A = arith.constant 0 : i32
      %dma_start3A_16 = tpu.memref_slice %arg5[%dma_start3A] : memref<2576xi32, #tpu.memory_space<vmem>> -> memref<2560xi32, #tpu.memory_space<vmem>>
      %dma_start3A_17 = tpu.memref_slice %arg2[%mul3A_4] : memref<81920xi32, #tpu.memory_space<hbm>> -> memref<2560xi32, #tpu.memory_space<hbm>>
      %dma_start3A_18 = arith.constant 0 : i32
      %dma_start3A_19 = tpu.memref_slice %arg5[%dma_start3A_18] : memref<2576xi32, #tpu.memory_space<vmem>> -> memref<2560xi32, #tpu.memory_space<vmem>>
      %dma_start3A_20 = tpu.memref_slice %arg2[%mul3A_4] : memref<81920xi32, #tpu.memory_space<hbm>> -> memref<2560xi32, #tpu.memory_space<hbm>>
      tpu.enqueue_dma source(%dma_start3A_20 : memref<2560xi32, #tpu.memory_space<hbm>>) target(%dma_start3A_19 : memref<2560xi32, #tpu.memory_space<vmem>>) target_semaphore(%run_scoped3A : memref<!tpu.dma_semaphore, #tpu.memory_space<semaphore_mem>>)
      %dma_wait3A = arith.constant 0 : i32
      %dma_wait3A_21 = tpu.memref_slice %arg5[%dma_wait3A] : memref<2576xi32, #tpu.memory_space<vmem>> -> memref<2560xi32, #tpu.memory_space<vmem>>
      %dma_wait3A_22 = tpu.memref_slice %arg2[%mul3A_4] : memref<81920xi32, #tpu.memory_space<hbm>> -> memref<2560xi32, #tpu.memory_space<hbm>>
      %dma_wait3A_23 = arith.constant 0 : i32
      %dma_wait3A_24 = tpu.memref_slice %arg5[%dma_wait3A_23] : memref<2576xi32, #tpu.memory_space<vmem>> -> memref<2560xi32, #tpu.memory_space<vmem>>
      %dma_wait3A_25 = tpu.memref_slice %arg2[%mul3A_4] : memref<81920xi32, #tpu.memory_space<hbm>> -> memref<2560xi32, #tpu.memory_space<hbm>>
      tpu.wait_dma2 semaphore(%run_scoped3A : memref<!tpu.dma_semaphore, #tpu.memory_space<semaphore_mem>>) src(%dma_wait3A_25 : memref<2560xi32, #tpu.memory_space<hbm>>) dst(%dma_wait3A_24 : memref<2560xi32, #tpu.memory_space<vmem>>)
      tpu.yield
    }) : () -> ()
    %scan3A = arith.constant 0 : i32
    %scan3A_5 = arith.constant 0 : i32
    %scan3A_6 = arith.constant 8 : i32
    %scan3A_7 = arith.addi %scan3A_5, %scan3A_6 : i32
    %scan3A_8 = arith.constant 1 : i32
    scf.for %scan3A_16 = %scan3A_5 to %scan3A_7 step %scan3A_8  : i32 {
      %mul3A_17 = arith.constant 5 : i32
      %mul3A_18 = arith.muli %mul3A_17, %scan3A_16 : i32
      %add3A_19 = arith.constant 0 : i32
      %add3A_20 = arith.addi %add3A_19, %mul3A_18 : i32
      %get3A = arith.index_cast %add3A_20 : i32 to index
      %get3A_21 = tpu.vector_load %arg5[%get3A] {strides = array<i32>} : memref<2576xi32, #tpu.memory_space<vmem>>, vector<16xi32>,
      %slice3A = vector.extract_strided_slice %get3A_21 {offsets = [0], sizes = [1], strides = [1]} : vector<16xi32> to vector<1xi32>
      %squeeze3A = vector.extract %slice3A[0] : i32 from vector<1xi32>
      %shift_right_arithmetic3A = arith.constant 3 : i32
      %shift_right_arithmetic3A_22 = arith.shrsi %squeeze3A, %shift_right_arithmetic3A : i32
      %mul3A_23 = arith.constant 5 : i32
      %mul3A_24 = arith.muli %mul3A_23, %scan3A_16 : i32
      %add3A_25 = arith.constant 0 : i32
      %add3A_26 = arith.addi %mul3A_24, %add3A_25 : i32
      %dma_start3A = arith.constant 0 : i32
      %dma_start3A_27 = arith.constant 0 : i32
      %dma_start3A_28 = tpu.memref_slice %arg6[%add3A_26, %dma_start3A, %dma_start3A_27] : memref<40x8x64xf32, #tpu.memory_space<vmem>> -> memref<1x8x64xf32, #tpu.memory_space<vmem>>
      %dma_start3A_29 = tpu.memref_squeeze %dma_start3A_28 : memref<1x8x64xf32, #tpu.memory_space<vmem>> -> memref<8x64xf32, #tpu.memory_space<vmem>>
      %dma_start3A_30 = arith.constant 0 : i32
      %dma_start3A_31 = arith.constant 0 : i32
      %dma_start3A_32 = tpu.memref_slice %arg3[%shift_right_arithmetic3A_22, %dma_start3A_30, %dma_start3A_31] : memref<125000x8x64xf32, #tpu.memory_space<hbm>> -> memref<1x8x64xf32, #tpu.memory_space<hbm>>
      %dma_start3A_33 = tpu.memref_squeeze %dma_start3A_32 : memref<1x8x64xf32, #tpu.memory_space<hbm>> -> memref<8x64xf32, #tpu.memory_space<hbm>>
      %dma_start3A_34 = arith.constant 0 : i32
      %dma_start3A_35 = arith.constant 0 : i32
      %dma_start3A_36 = tpu.memref_slice %arg6[%add3A_26, %dma_start3A_34, %dma_start3A_35] : memref<40x8x64xf32, #tpu.memory_space<vmem>> -> memref<1x8x64xf32, #tpu.memory_space<vmem>>
      %dma_start3A_37 = tpu.memref_squeeze %dma_start3A_36 : memref<1x8x64xf32, #tpu.memory_space<vmem>> -> memref<8x64xf32, #tpu.memory_space<vmem>>
      %dma_start3A_38 = arith.constant 0 : i32
      %dma_start3A_39 = arith.constant 0 : i32
      %dma_start3A_40 = tpu.memref_slice %arg3[%shift_right_arithmetic3A_22, %dma_start3A_38, %dma_start3A_39] : memref<125000x8x64xf32, #tpu.memory_space<hbm>> -> memref<1x8x64xf32, #tpu.memory_space<hbm>>
      %dma_start3A_41 = tpu.memref_squeeze %dma_start3A_40 : memref<1x8x64xf32, #tpu.memory_space<hbm>> -> memref<8x64xf32, #tpu.memory_space<hbm>>
      tpu.enqueue_dma source(%dma_start3A_41 : memref<8x64xf32, #tpu.memory_space<hbm>>) target(%dma_start3A_37 : memref<8x64xf32, #tpu.memory_space<vmem>>) target_semaphore(%arg10 : memref<!tpu.dma_semaphore, #tpu.memory_space<semaphore_mem>>)
      %slice3A_42 = vector.extract_strided_slice %get3A_21 {offsets = [1], sizes = [1], strides = [1]} : vector<16xi32> to vector<1xi32>
      %squeeze3A_43 = vector.extract %slice3A_42[0] : i32 from vector<1xi32>
      %shift_right_arithmetic3A_44 = arith.constant 3 : i32
      %shift_right_arithmetic3A_45 = arith.shrsi %squeeze3A_43, %shift_right_arithmetic3A_44 : i32
      %mul3A_46 = arith.constant 5 : i32
      %mul3A_47 = arith.muli %mul3A_46, %scan3A_16 : i32
      %add3A_48 = arith.constant 1 : i32
      %add3A_49 = arith.addi %mul3A_47, %add3A_48 : i32
      %dma_start3A_50 = arith.constant 0 : i32
      %dma_start3A_51 = arith.constant 0 : i32
      %dma_start3A_52 = tpu.memref_slice %arg6[%add3A_49, %dma_start3A_50, %dma_start3A_51] : memref<40x8x64xf32, #tpu.memory_space<vmem>> -> memref<1x8x64xf32, #tpu.memory_space<vmem>>
      %dma_start3A_53 = tpu.memref_squeeze %dma_start3A_52 : memref<1x8x64xf32, #tpu.memory_space<vmem>> -> memref<8x64xf32, #tpu.memory_space<vmem>>
      %dma_start3A_54 = arith.constant 0 : i32
      %dma_start3A_55 = arith.constant 0 : i32
      %dma_start3A_56 = tpu.memref_slice %arg3[%shift_right_arithmetic3A_45, %dma_start3A_54, %dma_start3A_55] : memref<125000x8x64xf32, #tpu.memory_space<hbm>> -> memref<1x8x64xf32, #tpu.memory_space<hbm>>
      %dma_start3A_57 = tpu.memref_squeeze %dma_start3A_56 : memref<1x8x64xf32, #tpu.memory_space<hbm>> -> memref<8x64xf32, #tpu.memory_space<hbm>>
      %dma_start3A_58 = arith.constant 0 : i32
      %dma_start3A_59 = arith.constant 0 : i32
      %dma_start3A_60 = tpu.memref_slice %arg6[%add3A_49, %dma_start3A_58, %dma_start3A_59] : memref<40x8x64xf32, #tpu.memory_space<vmem>> -> memref<1x8x64xf32, #tpu.memory_space<vmem>>
      %dma_start3A_61 = tpu.memref_squeeze %dma_start3A_60 : memref<1x8x64xf32, #tpu.memory_space<vmem>> -> memref<8x64xf32, #tpu.memory_space<vmem>>
      %dma_start3A_62 = arith.constant 0 : i32
      %dma_start3A_63 = arith.constant 0 : i32
      %dma_start3A_64 = tpu.memref_slice %arg3[%shift_right_arithmetic3A_45, %dma_start3A_62, %dma_start3A_63] : memref<125000x8x64xf32, #tpu.memory_space<hbm>> -> memref<1x8x64xf32, #tpu.memory_space<hbm>>
      %dma_start3A_65 = tpu.memref_squeeze %dma_start3A_64 : memref<1x8x64xf32, #tpu.memory_space<hbm>> -> memref<8x64xf32, #tpu.memory_space<hbm>>
      tpu.enqueue_dma source(%dma_start3A_65 : memref<8x64xf32, #tpu.memory_space<hbm>>) target(%dma_start3A_61 : memref<8x64xf32, #tpu.memory_space<vmem>>) target_semaphore(%arg10 : memref<!tpu.dma_semaphore, #tpu.memory_space<semaphore_mem>>)
      %slice3A_66 = vector.extract_strided_slice %get3A_21 {offsets = [2], sizes = [1], strides = [1]} : vector<16xi32> to vector<1xi32>
      %squeeze3A_67 = vector.extract %slice3A_66[0] : i32 from vector<1xi32>
      %shift_right_arithmetic3A_68 = arith.constant 3 : i32
      %shift_right_arithmetic3A_69 = arith.shrsi %squeeze3A_67, %shift_right_arithmetic3A_68 : i32
      %mul3A_70 = arith.constant 5 : i32
      %mul3A_71 = arith.muli %mul3A_70, %scan3A_16 : i32
      %add3A_72 = arith.constant 2 : i32
      %add3A_73 = arith.addi %mul3A_71, %add3A_72 : i32
      %dma_start3A_74 = arith.constant 0 : i32
      %dma_start3A_75 = arith.constant 0 : i32
      %dma_start3A_76 = tpu.memref_slice %arg6[%add3A_73, %dma_start3A_74, %dma_start3A_75] : memref<40x8x64xf32, #tpu.memory_space<vmem>> -> memref<1x8x64xf32, #tpu.memory_space<vmem>>
      %dma_start3A_77 = tpu.memref_squeeze %dma_start3A_76 : memref<1x8x64xf32, #tpu.memory_space<vmem>> -> memref<8x64xf32, #tpu.memory_space<vmem>>
      %dma_start3A_78 = arith.constant 0 : i32
      %dma_start3A_79 = arith.constant 0 : i32
      %dma_start3A_80 = tpu.memref_slice %arg3[%shift_right_arithmetic3A_69, %dma_start3A_78, %dma_start3A_79] : memref<125000x8x64xf32, #tpu.memory_space<hbm>> -> memref<1x8x64xf32, #tpu.memory_space<hbm>>
      %dma_start3A_81 = tpu.memref_squeeze %dma_start3A_80 : memref<1x8x64xf32, #tpu.memory_space<hbm>> -> memref<8x64xf32, #tpu.memory_space<hbm>>
      %dma_start3A_82 = arith.constant 0 : i32
      %dma_start3A_83 = arith.constant 0 : i32
      %dma_start3A_84 = tpu.memref_slice %arg6[%add3A_73, %dma_start3A_82, %dma_start3A_83] : memref<40x8x64xf32, #tpu.memory_space<vmem>> -> memref<1x8x64xf32, #tpu.memory_space<vmem>>
      %dma_start3A_85 = tpu.memref_squeeze %dma_start3A_84 : memref<1x8x64xf32, #tpu.memory_space<vmem>> -> memref<8x64xf32, #tpu.memory_space<vmem>>
      %dma_start3A_86 = arith.constant 0 : i32
      %dma_start3A_87 = arith.constant 0 : i32
      %dma_start3A_88 = tpu.memref_slice %arg3[%shift_right_arithmetic3A_69, %dma_start3A_86, %dma_start3A_87] : memref<125000x8x64xf32, #tpu.memory_space<hbm>> -> memref<1x8x64xf32, #tpu.memory_space<hbm>>
      %dma_start3A_89 = tpu.memref_squeeze %dma_start3A_88 : memref<1x8x64xf32, #tpu.memory_space<hbm>> -> memref<8x64xf32, #tpu.memory_space<hbm>>
      tpu.enqueue_dma source(%dma_start3A_89 : memref<8x64xf32, #tpu.memory_space<hbm>>) target(%dma_start3A_85 : memref<8x64xf32, #tpu.memory_space<vmem>>) target_semaphore(%arg10 : memref<!tpu.dma_semaphore, #tpu.memory_space<semaphore_mem>>)
      %slice3A_90 = vector.extract_strided_slice %get3A_21 {offsets = [3], sizes = [1], strides = [1]} : vector<16xi32> to vector<1xi32>
      %squeeze3A_91 = vector.extract %slice3A_90[0] : i32 from vector<1xi32>
      %shift_right_arithmetic3A_92 = arith.constant 3 : i32
      %shift_right_arithmetic3A_93 = arith.shrsi %squeeze3A_91, %shift_right_arithmetic3A_92 : i32
      %mul3A_94 = arith.constant 5 : i32
      %mul3A_95 = arith.muli %mul3A_94, %scan3A_16 : i32
      %add3A_96 = arith.constant 3 : i32
      %add3A_97 = arith.addi %mul3A_95, %add3A_96 : i32
      %dma_start3A_98 = arith.constant 0 : i32
      %dma_start3A_99 = arith.constant 0 : i32
      %dma_start3A_100 = tpu.memref_slice %arg6[%add3A_97, %dma_start3A_98, %dma_start3A_99] : memref<40x8x64xf32, #tpu.memory_space<vmem>> -> memref<1x8x64xf32, #tpu.memory_space<vmem>>
      %dma_start3A_101 = tpu.memref_squeeze %dma_start3A_100 : memref<1x8x64xf32, #tpu.memory_space<vmem>> -> memref<8x64xf32, #tpu.memory_space<vmem>>
      %dma_start3A_102 = arith.constant 0 : i32
      %dma_start3A_103 = arith.constant 0 : i32
      %dma_start3A_104 = tpu.memref_slice %arg3[%shift_right_arithmetic3A_93, %dma_start3A_102, %dma_start3A_103] : memref<125000x8x64xf32, #tpu.memory_space<hbm>> -> memref<1x8x64xf32, #tpu.memory_space<hbm>>
      %dma_start3A_105 = tpu.memref_squeeze %dma_start3A_104 : memref<1x8x64xf32, #tpu.memory_space<hbm>> -> memref<8x64xf32, #tpu.memory_space<hbm>>
      %dma_start3A_106 = arith.constant 0 : i32
      %dma_start3A_107 = arith.constant 0 : i32
      %dma_start3A_108 = tpu.memref_slice %arg6[%add3A_97, %dma_start3A_106, %dma_start3A_107] : memref<40x8x64xf32, #tpu.memory_space<vmem>> -> memref<1x8x64xf32, #tpu.memory_space<vmem>>
      %dma_start3A_109 = tpu.memref_squeeze %dma_start3A_108 : memref<1x8x64xf32, #tpu.memory_space<vmem>> -> memref<8x64xf32, #tpu.memory_space<vmem>>
      %dma_start3A_110 = arith.constant 0 : i32
      %dma_start3A_111 = arith.constant 0 : i32
      %dma_start3A_112 = tpu.memref_slice %arg3[%shift_right_arithmetic3A_93, %dma_start3A_110, %dma_start3A_111] : memref<125000x8x64xf32, #tpu.memory_space<hbm>> -> memref<1x8x64xf32, #tpu.memory_space<hbm>>
      %dma_start3A_113 = tpu.memref_squeeze %dma_start3A_112 : memref<1x8x64xf32, #tpu.memory_space<hbm>> -> memref<8x64xf32, #tpu.memory_space<hbm>>
      tpu.enqueue_dma source(%dma_start3A_113 : memref<8x64xf32, #tpu.memory_space<hbm>>) target(%dma_start3A_109 : memref<8x64xf32, #tpu.memory_space<vmem>>) target_semaphore(%arg10 : memref<!tpu.dma_semaphore, #tpu.memory_space<semaphore_mem>>)
      %slice3A_114 = vector.extract_strided_slice %get3A_21 {offsets = [4], sizes = [1], strides = [1]} : vector<16xi32> to vector<1xi32>
      %squeeze3A_115 = vector.extract %slice3A_114[0] : i32 from vector<1xi32>
      %shift_right_arithmetic3A_116 = arith.constant 3 : i32
      %shift_right_arithmetic3A_117 = arith.shrsi %squeeze3A_115, %shift_right_arithmetic3A_116 : i32
      %mul3A_118 = arith.constant 5 : i32
      %mul3A_119 = arith.muli %mul3A_118, %scan3A_16 : i32
      %add3A_120 = arith.constant 4 : i32
      %add3A_121 = arith.addi %mul3A_119, %add3A_120 : i32
      %dma_start3A_122 = arith.constant 0 : i32
      %dma_start3A_123 = arith.constant 0 : i32
      %dma_start3A_124 = tpu.memref_slice %arg6[%add3A_121, %dma_start3A_122, %dma_start3A_123] : memref<40x8x64xf32, #tpu.memory_space<vmem>> -> memref<1x8x64xf32, #tpu.memory_space<vmem>>
      %dma_start3A_125 = tpu.memref_squeeze %dma_start3A_124 : memref<1x8x64xf32, #tpu.memory_space<vmem>> -> memref<8x64xf32, #tpu.memory_space<vmem>>
      %dma_start3A_126 = arith.constant 0 : i32
      %dma_start3A_127 = arith.constant 0 : i32
      %dma_start3A_128 = tpu.memref_slice %arg3[%shift_right_arithmetic3A_117, %dma_start3A_126, %dma_start3A_127] : memref<125000x8x64xf32, #tpu.memory_space<hbm>> -> memref<1x8x64xf32, #tpu.memory_space<hbm>>
      %dma_start3A_129 = tpu.memref_squeeze %dma_start3A_128 : memref<1x8x64xf32, #tpu.memory_space<hbm>> -> memref<8x64xf32, #tpu.memory_space<hbm>>
      %dma_start3A_130 = arith.constant 0 : i32
      %dma_start3A_131 = arith.constant 0 : i32
      %dma_start3A_132 = tpu.memref_slice %arg6[%add3A_121, %dma_start3A_130, %dma_start3A_131] : memref<40x8x64xf32, #tpu.memory_space<vmem>> -> memref<1x8x64xf32, #tpu.memory_space<vmem>>
      %dma_start3A_133 = tpu.memref_squeeze %dma_start3A_132 : memref<1x8x64xf32, #tpu.memory_space<vmem>> -> memref<8x64xf32, #tpu.memory_space<vmem>>
      %dma_start3A_134 = arith.constant 0 : i32
      %dma_start3A_135 = arith.constant 0 : i32
      %dma_start3A_136 = tpu.memref_slice %arg3[%shift_right_arithmetic3A_117, %dma_start3A_134, %dma_start3A_135] : memref<125000x8x64xf32, #tpu.memory_space<hbm>> -> memref<1x8x64xf32, #tpu.memory_space<hbm>>
      %dma_start3A_137 = tpu.memref_squeeze %dma_start3A_136 : memref<1x8x64xf32, #tpu.memory_space<hbm>> -> memref<8x64xf32, #tpu.memory_space<hbm>>
      tpu.enqueue_dma source(%dma_start3A_137 : memref<8x64xf32, #tpu.memory_space<hbm>>) target(%dma_start3A_133 : memref<8x64xf32, #tpu.memory_space<vmem>>) target_semaphore(%arg10 : memref<!tpu.dma_semaphore, #tpu.memory_space<semaphore_mem>>)
    }
    %scan3A_9 = arith.constant 8 : i32
    %scan3A_10 = arith.constant 0 : i32
    %scan3A_11 = arith.constant 0 : i32
    %scan3A_12 = arith.constant 32 : i32
    %scan3A_13 = arith.addi %scan3A_11, %scan3A_12 : i32
    %scan3A_14 = arith.constant 1 : i32
    scf.for %scan3A_16 = %scan3A_11 to %scan3A_13 step %scan3A_14  : i32 {
      %mul3A_17 = arith.constant 2 : i32
      %mul3A_18 = arith.muli %mul3A_17, %scan3A_16 : i32
      %add3A_19 = arith.constant 1 : i32
      %add3A_20 = arith.addi %mul3A_18, %add3A_19 : i32
      %scan3A_21 = arith.constant 0 : i32
      %scan3A_22 = arith.constant 0 : i32
      %scan3A_23 = arith.constant 8 : i32
      %scan3A_24 = arith.addi %scan3A_22, %scan3A_23 : i32
      %scan3A_25 = arith.constant 1 : i32
      scf.for %scan3A_258 = %scan3A_22 to %scan3A_24 step %scan3A_25  : i32 {
        %mul3A_259 = arith.constant 40 : i32
        %mul3A_260 = arith.muli %add3A_20, %mul3A_259 : i32
        %mul3A_261 = arith.constant 5 : i32
        %mul3A_262 = arith.muli %mul3A_261, %scan3A_258 : i32
        %add3A_263 = arith.addi %mul3A_260, %mul3A_262 : i32
        %get3A_264 = arith.index_cast %add3A_263 : i32 to index
        %get3A_265 = tpu.vector_load %arg5[%get3A_264] {strides = array<i32>} : memref<2576xi32, #tpu.memory_space<vmem>>, vector<16xi32>,
        %slice3A = vector.extract_strided_slice %get3A_265 {offsets = [0], sizes = [1], strides = [1]} : vector<16xi32> to vector<1xi32>
        %squeeze3A = vector.extract %slice3A[0] : i32 from vector<1xi32>
        %shift_right_arithmetic3A = arith.constant 3 : i32
        %shift_right_arithmetic3A_266 = arith.shrsi %squeeze3A, %shift_right_arithmetic3A : i32
        %mul3A_267 = arith.constant 5 : i32
        %mul3A_268 = arith.muli %mul3A_267, %scan3A_258 : i32
        %add3A_269 = arith.constant 0 : i32
        %add3A_270 = arith.addi %mul3A_268, %add3A_269 : i32
        %dma_start3A = arith.constant 0 : i32
        %dma_start3A_271 = arith.constant 0 : i32
        %dma_start3A_272 = tpu.memref_slice %arg7[%add3A_270, %dma_start3A, %dma_start3A_271] : memref<40x8x64xf32, #tpu.memory_space<vmem>> -> memref<1x8x64xf32, #tpu.memory_space<vmem>>
        %dma_start3A_273 = tpu.memref_squeeze %dma_start3A_272 : memref<1x8x64xf32, #tpu.memory_space<vmem>> -> memref<8x64xf32, #tpu.memory_space<vmem>>
        %dma_start3A_274 = arith.constant 0 : i32
        %dma_start3A_275 = arith.constant 0 : i32
        %dma_start3A_276 = tpu.memref_slice %arg3[%shift_right_arithmetic3A_266, %dma_start3A_274, %dma_start3A_275] : memref<125000x8x64xf32, #tpu.memory_space<hbm>> -> memref<1x8x64xf32, #tpu.memory_space<hbm>>
        %dma_start3A_277 = tpu.memref_squeeze %dma_start3A_276 : memref<1x8x64xf32, #tpu.memory_space<hbm>> -> memref<8x64xf32, #tpu.memory_space<hbm>>
        %dma_start3A_278 = arith.constant 0 : i32
        %dma_start3A_279 = arith.constant 0 : i32
        %dma_start3A_280 = tpu.memref_slice %arg7[%add3A_270, %dma_start3A_278, %dma_start3A_279] : memref<40x8x64xf32, #tpu.memory_space<vmem>> -> memref<1x8x64xf32, #tpu.memory_space<vmem>>
        %dma_start3A_281 = tpu.memref_squeeze %dma_start3A_280 : memref<1x8x64xf32, #tpu.memory_space<vmem>> -> memref<8x64xf32, #tpu.memory_space<vmem>>
        %dma_start3A_282 = arith.constant 0 : i32
        %dma_start3A_283 = arith.constant 0 : i32
        %dma_start3A_284 = tpu.memref_slice %arg3[%shift_right_arithmetic3A_266, %dma_start3A_282, %dma_start3A_283] : memref<125000x8x64xf32, #tpu.memory_space<hbm>> -> memref<1x8x64xf32, #tpu.memory_space<hbm>>
        %dma_start3A_285 = tpu.memref_squeeze %dma_start3A_284 : memref<1x8x64xf32, #tpu.memory_space<hbm>> -> memref<8x64xf32, #tpu.memory_space<hbm>>
        tpu.enqueue_dma source(%dma_start3A_285 : memref<8x64xf32, #tpu.memory_space<hbm>>) target(%dma_start3A_281 : memref<8x64xf32, #tpu.memory_space<vmem>>) target_semaphore(%arg11 : memref<!tpu.dma_semaphore, #tpu.memory_space<semaphore_mem>>)
        %slice3A_286 = vector.extract_strided_slice %get3A_265 {offsets = [1], sizes = [1], strides = [1]} : vector<16xi32> to vector<1xi32>
        %squeeze3A_287 = vector.extract %slice3A_286[0] : i32 from vector<1xi32>
        %shift_right_arithmetic3A_288 = arith.constant 3 : i32
        %shift_right_arithmetic3A_289 = arith.shrsi %squeeze3A_287, %shift_right_arithmetic3A_288 : i32
        %mul3A_290 = arith.constant 5 : i32
        %mul3A_291 = arith.muli %mul3A_290, %scan3A_258 : i32
        %add3A_292 = arith.constant 1 : i32
        %add3A_293 = arith.addi %mul3A_291, %add3A_292 : i32
        %dma_start3A_294 = arith.constant 0 : i32
        %dma_start3A_295 = arith.constant 0 : i32
        %dma_start3A_296 = tpu.memref_slice %arg7[%add3A_293, %dma_start3A_294, %dma_start3A_295] : memref<40x8x64xf32, #tpu.memory_space<vmem>> -> memref<1x8x64xf32, #tpu.memory_space<vmem>>
        %dma_start3A_297 = tpu.memref_squeeze %dma_start3A_296 : memref<1x8x64xf32, #tpu.memory_space<vmem>> -> memref<8x64xf32, #tpu.memory_space<vmem>>
        %dma_start3A_298 = arith.constant 0 : i32
        %dma_start3A_299 = arith.constant 0 : i32
        %dma_start3A_300 = tpu.memref_slice %arg3[%shift_right_arithmetic3A_289, %dma_start3A_298, %dma_start3A_299] : memref<125000x8x64xf32, #tpu.memory_space<hbm>> -> memref<1x8x64xf32, #tpu.memory_space<hbm>>
        %dma_start3A_301 = tpu.memref_squeeze %dma_start3A_300 : memref<1x8x64xf32, #tpu.memory_space<hbm>> -> memref<8x64xf32, #tpu.memory_space<hbm>>
        %dma_start3A_302 = arith.constant 0 : i32
        %dma_start3A_303 = arith.constant 0 : i32
        %dma_start3A_304 = tpu.memref_slice %arg7[%add3A_293, %dma_start3A_302, %dma_start3A_303] : memref<40x8x64xf32, #tpu.memory_space<vmem>> -> memref<1x8x64xf32, #tpu.memory_space<vmem>>
        %dma_start3A_305 = tpu.memref_squeeze %dma_start3A_304 : memref<1x8x64xf32, #tpu.memory_space<vmem>> -> memref<8x64xf32, #tpu.memory_space<vmem>>
        %dma_start3A_306 = arith.constant 0 : i32
        %dma_start3A_307 = arith.constant 0 : i32
        %dma_start3A_308 = tpu.memref_slice %arg3[%shift_right_arithmetic3A_289, %dma_start3A_306, %dma_start3A_307] : memref<125000x8x64xf32, #tpu.memory_space<hbm>> -> memref<1x8x64xf32, #tpu.memory_space<hbm>>
        %dma_start3A_309 = tpu.memref_squeeze %dma_start3A_308 : memref<1x8x64xf32, #tpu.memory_space<hbm>> -> memref<8x64xf32, #tpu.memory_space<hbm>>
        tpu.enqueue_dma source(%dma_start3A_309 : memref<8x64xf32, #tpu.memory_space<hbm>>) target(%dma_start3A_305 : memref<8x64xf32, #tpu.memory_space<vmem>>) target_semaphore(%arg11 : memref<!tpu.dma_semaphore, #tpu.memory_space<semaphore_mem>>)
        %slice3A_310 = vector.extract_strided_slice %get3A_265 {offsets = [2], sizes = [1], strides = [1]} : vector<16xi32> to vector<1xi32>
        %squeeze3A_311 = vector.extract %slice3A_310[0] : i32 from vector<1xi32>
        %shift_right_arithmetic3A_312 = arith.constant 3 : i32
        %shift_right_arithmetic3A_313 = arith.shrsi %squeeze3A_311, %shift_right_arithmetic3A_312 : i32
        %mul3A_314 = arith.constant 5 : i32
        %mul3A_315 = arith.muli %mul3A_314, %scan3A_258 : i32
        %add3A_316 = arith.constant 2 : i32
        %add3A_317 = arith.addi %mul3A_315, %add3A_316 : i32
        %dma_start3A_318 = arith.constant 0 : i32
        %dma_start3A_319 = arith.constant 0 : i32
        %dma_start3A_320 = tpu.memref_slice %arg7[%add3A_317, %dma_start3A_318, %dma_start3A_319] : memref<40x8x64xf32, #tpu.memory_space<vmem>> -> memref<1x8x64xf32, #tpu.memory_space<vmem>>
        %dma_start3A_321 = tpu.memref_squeeze %dma_start3A_320 : memref<1x8x64xf32, #tpu.memory_space<vmem>> -> memref<8x64xf32, #tpu.memory_space<vmem>>
        %dma_start3A_322 = arith.constant 0 : i32
        %dma_start3A_323 = arith.constant 0 : i32
        %dma_start3A_324 = tpu.memref_slice %arg3[%shift_right_arithmetic3A_313, %dma_start3A_322, %dma_start3A_323] : memref<125000x8x64xf32, #tpu.memory_space<hbm>> -> memref<1x8x64xf32, #tpu.memory_space<hbm>>
        %dma_start3A_325 = tpu.memref_squeeze %dma_start3A_324 : memref<1x8x64xf32, #tpu.memory_space<hbm>> -> memref<8x64xf32, #tpu.memory_space<hbm>>
        %dma_start3A_326 = arith.constant 0 : i32
        %dma_start3A_327 = arith.constant 0 : i32
        %dma_start3A_328 = tpu.memref_slice %arg7[%add3A_317, %dma_start3A_326, %dma_start3A_327] : memref<40x8x64xf32, #tpu.memory_space<vmem>> -> memref<1x8x64xf32, #tpu.memory_space<vmem>>
        %dma_start3A_329 = tpu.memref_squeeze %dma_start3A_328 : memref<1x8x64xf32, #tpu.memory_space<vmem>> -> memref<8x64xf32, #tpu.memory_space<vmem>>
        %dma_start3A_330 = arith.constant 0 : i32
        %dma_start3A_331 = arith.constant 0 : i32
        %dma_start3A_332 = tpu.memref_slice %arg3[%shift_right_arithmetic3A_313, %dma_start3A_330, %dma_start3A_331] : memref<125000x8x64xf32, #tpu.memory_space<hbm>> -> memref<1x8x64xf32, #tpu.memory_space<hbm>>
        %dma_start3A_333 = tpu.memref_squeeze %dma_start3A_332 : memref<1x8x64xf32, #tpu.memory_space<hbm>> -> memref<8x64xf32, #tpu.memory_space<hbm>>
        tpu.enqueue_dma source(%dma_start3A_333 : memref<8x64xf32, #tpu.memory_space<hbm>>) target(%dma_start3A_329 : memref<8x64xf32, #tpu.memory_space<vmem>>) target_semaphore(%arg11 : memref<!tpu.dma_semaphore, #tpu.memory_space<semaphore_mem>>)
        %slice3A_334 = vector.extract_strided_slice %get3A_265 {offsets = [3], sizes = [1], strides = [1]} : vector<16xi32> to vector<1xi32>
        %squeeze3A_335 = vector.extract %slice3A_334[0] : i32 from vector<1xi32>
        %shift_right_arithmetic3A_336 = arith.constant 3 : i32
        %shift_right_arithmetic3A_337 = arith.shrsi %squeeze3A_335, %shift_right_arithmetic3A_336 : i32
        %mul3A_338 = arith.constant 5 : i32
        %mul3A_339 = arith.muli %mul3A_338, %scan3A_258 : i32
        %add3A_340 = arith.constant 3 : i32
        %add3A_341 = arith.addi %mul3A_339, %add3A_340 : i32
        %dma_start3A_342 = arith.constant 0 : i32
        %dma_start3A_343 = arith.constant 0 : i32
        %dma_start3A_344 = tpu.memref_slice %arg7[%add3A_341, %dma_start3A_342, %dma_start3A_343] : memref<40x8x64xf32, #tpu.memory_space<vmem>> -> memref<1x8x64xf32, #tpu.memory_space<vmem>>
        %dma_start3A_345 = tpu.memref_squeeze %dma_start3A_344 : memref<1x8x64xf32, #tpu.memory_space<vmem>> -> memref<8x64xf32, #tpu.memory_space<vmem>>
        %dma_start3A_346 = arith.constant 0 : i32
        %dma_start3A_347 = arith.constant 0 : i32
        %dma_start3A_348 = tpu.memref_slice %arg3[%shift_right_arithmetic3A_337, %dma_start3A_346, %dma_start3A_347] : memref<125000x8x64xf32, #tpu.memory_space<hbm>> -> memref<1x8x64xf32, #tpu.memory_space<hbm>>
        %dma_start3A_349 = tpu.memref_squeeze %dma_start3A_348 : memref<1x8x64xf32, #tpu.memory_space<hbm>> -> memref<8x64xf32, #tpu.memory_space<hbm>>
        %dma_start3A_350 = arith.constant 0 : i32
        %dma_start3A_351 = arith.constant 0 : i32
        %dma_start3A_352 = tpu.memref_slice %arg7[%add3A_341, %dma_start3A_350, %dma_start3A_351] : memref<40x8x64xf32, #tpu.memory_space<vmem>> -> memref<1x8x64xf32, #tpu.memory_space<vmem>>
        %dma_start3A_353 = tpu.memref_squeeze %dma_start3A_352 : memref<1x8x64xf32, #tpu.memory_space<vmem>> -> memref<8x64xf32, #tpu.memory_space<vmem>>
        %dma_start3A_354 = arith.constant 0 : i32
        %dma_start3A_355 = arith.constant 0 : i32
        %dma_start3A_356 = tpu.memref_slice %arg3[%shift_right_arithmetic3A_337, %dma_start3A_354, %dma_start3A_355] : memref<125000x8x64xf32, #tpu.memory_space<hbm>> -> memref<1x8x64xf32, #tpu.memory_space<hbm>>
        %dma_start3A_357 = tpu.memref_squeeze %dma_start3A_356 : memref<1x8x64xf32, #tpu.memory_space<hbm>> -> memref<8x64xf32, #tpu.memory_space<hbm>>
        tpu.enqueue_dma source(%dma_start3A_357 : memref<8x64xf32, #tpu.memory_space<hbm>>) target(%dma_start3A_353 : memref<8x64xf32, #tpu.memory_space<vmem>>) target_semaphore(%arg11 : memref<!tpu.dma_semaphore, #tpu.memory_space<semaphore_mem>>)
        %slice3A_358 = vector.extract_strided_slice %get3A_265 {offsets = [4], sizes = [1], strides = [1]} : vector<16xi32> to vector<1xi32>
        %squeeze3A_359 = vector.extract %slice3A_358[0] : i32 from vector<1xi32>
        %shift_right_arithmetic3A_360 = arith.constant 3 : i32
        %shift_right_arithmetic3A_361 = arith.shrsi %squeeze3A_359, %shift_right_arithmetic3A_360 : i32
        %mul3A_362 = arith.constant 5 : i32
        %mul3A_363 = arith.muli %mul3A_362, %scan3A_258 : i32
        %add3A_364 = arith.constant 4 : i32
        %add3A_365 = arith.addi %mul3A_363, %add3A_364 : i32
        %dma_start3A_366 = arith.constant 0 : i32
        %dma_start3A_367 = arith.constant 0 : i32
        %dma_start3A_368 = tpu.memref_slice %arg7[%add3A_365, %dma_start3A_366, %dma_start3A_367] : memref<40x8x64xf32, #tpu.memory_space<vmem>> -> memref<1x8x64xf32, #tpu.memory_space<vmem>>
        %dma_start3A_369 = tpu.memref_squeeze %dma_start3A_368 : memref<1x8x64xf32, #tpu.memory_space<vmem>> -> memref<8x64xf32, #tpu.memory_space<vmem>>
        %dma_start3A_370 = arith.constant 0 : i32
        %dma_start3A_371 = arith.constant 0 : i32
        %dma_start3A_372 = tpu.memref_slice %arg3[%shift_right_arithmetic3A_361, %dma_start3A_370, %dma_start3A_371] : memref<125000x8x64xf32, #tpu.memory_space<hbm>> -> memref<1x8x64xf32, #tpu.memory_space<hbm>>
        %dma_start3A_373 = tpu.memref_squeeze %dma_start3A_372 : memref<1x8x64xf32, #tpu.memory_space<hbm>> -> memref<8x64xf32, #tpu.memory_space<hbm>>
        %dma_start3A_374 = arith.constant 0 : i32
        %dma_start3A_375 = arith.constant 0 : i32
        %dma_start3A_376 = tpu.memref_slice %arg7[%add3A_365, %dma_start3A_374, %dma_start3A_375] : memref<40x8x64xf32, #tpu.memory_space<vmem>> -> memref<1x8x64xf32, #tpu.memory_space<vmem>>
        %dma_start3A_377 = tpu.memref_squeeze %dma_start3A_376 : memref<1x8x64xf32, #tpu.memory_space<vmem>> -> memref<8x64xf32, #tpu.memory_space<vmem>>
        %dma_start3A_378 = arith.constant 0 : i32
        %dma_start3A_379 = arith.constant 0 : i32
        %dma_start3A_380 = tpu.memref_slice %arg3[%shift_right_arithmetic3A_361, %dma_start3A_378, %dma_start3A_379] : memref<125000x8x64xf32, #tpu.memory_space<hbm>> -> memref<1x8x64xf32, #tpu.memory_space<hbm>>
        %dma_start3A_381 = tpu.memref_squeeze %dma_start3A_380 : memref<1x8x64xf32, #tpu.memory_space<hbm>> -> memref<8x64xf32, #tpu.memory_space<hbm>>
        tpu.enqueue_dma source(%dma_start3A_381 : memref<8x64xf32, #tpu.memory_space<hbm>>) target(%dma_start3A_377 : memref<8x64xf32, #tpu.memory_space<vmem>>) target_semaphore(%arg11 : memref<!tpu.dma_semaphore, #tpu.memory_space<semaphore_mem>>)
      }
      %scan3A_26 = arith.constant 8 : i32
      %dma_wait3A = arith.constant 0 : i32
      %dma_wait3A_27 = arith.constant 0 : i32
      %dma_wait3A_28 = arith.constant 0 : i32
      %dma_wait3A_29 = tpu.memref_slice %arg3[%dma_wait3A, %dma_wait3A_27, %dma_wait3A_28] : memref<125000x8x64xf32, #tpu.memory_space<hbm>> -> memref<1x8x64xf32, #tpu.memory_space<hbm>>
      %dma_wait3A_30 = tpu.memref_squeeze %dma_wait3A_29 : memref<1x8x64xf32, #tpu.memory_space<hbm>> -> memref<8x64xf32, #tpu.memory_space<hbm>>
      %dma_wait3A_31 = arith.constant 0 : i32
      %dma_wait3A_32 = arith.constant 0 : i32
      %dma_wait3A_33 = tpu.memref_slice %arg3[%dma_wait3A, %dma_wait3A_31, %dma_wait3A_32] : memref<125000x8x64xf32, #tpu.memory_space<hbm>> -> memref<1x8x64xf32, #tpu.memory_space<hbm>>
      %dma_wait3A_34 = tpu.memref_squeeze %dma_wait3A_33 : memref<1x8x64xf32, #tpu.memory_space<hbm>> -> memref<8x64xf32, #tpu.memory_space<hbm>>
      tpu.wait_dma2 semaphore(%arg10 : memref<!tpu.dma_semaphore, #tpu.memory_space<semaphore_mem>>) src(%dma_wait3A_34 : memref<8x64xf32, #tpu.memory_space<hbm>>) dst(%arg6 : memref<40x8x64xf32, #tpu.memory_space<vmem>>)
      %iota3A = tpu.iota {dimensions = array<i32: 0>} : vector<16xi32>
      %eq3A = arith.constant 15 : i32
      %eq3A_35 = vector.broadcast %eq3A : i32 to vector<16xi32>
      %eq3A_36 = arith.cmpi eq, %iota3A, %eq3A_35 : vector<16xi32>
      %scan3A_37 = arith.constant 0 : i32
      %scan3A_38 = arith.constant 0 : i32
      %scan3A_39 = arith.constant 8 : i32
      %scan3A_40 = arith.addi %scan3A_38, %scan3A_39 : i32
      %scan3A_41 = arith.constant 1 : i32
      scf.for %scan3A_258 = %scan3A_38 to %scan3A_40 step %scan3A_41  : i32 {
        %mul3A_259 = arith.constant 40 : i32
        %mul3A_260 = arith.muli %mul3A_18, %mul3A_259 : i32
        %mul3A_261 = arith.constant 5 : i32
        %mul3A_262 = arith.muli %mul3A_261, %scan3A_258 : i32
        %add3A_263 = arith.addi %mul3A_260, %mul3A_262 : i32
        %get3A_264 = arith.index_cast %add3A_263 : i32 to index
        %get3A_265 = tpu.vector_load %arg5[%get3A_264] {strides = array<i32>} : memref<2576xi32, #tpu.memory_space<vmem>>, vector<16xi32>,
        %add3A_266 = arith.constant 0 : i32
        %add3A_267 = arith.addi %scan3A_258, %add3A_266 : i32
        %broadcast_in_dim3A = vector.broadcast %add3A_267 : i32 to vector<16xi32>
        %slice3A = vector.extract_strided_slice %get3A_265 {offsets = [0], sizes = [1], strides = [1]} : vector<16xi32> to vector<1xi32>
        %squeeze3A = vector.extract %slice3A[0] : i32 from vector<1xi32>
        %and3A = arith.constant 7 : i32
        %and3A_268 = arith.andi %squeeze3A, %and3A : i32
        %slice3A_269 = vector.extract_strided_slice %get3A_265 {offsets = [1], sizes = [1], strides = [1]} : vector<16xi32> to vector<1xi32>
        %squeeze3A_270 = vector.extract %slice3A_269[0] : i32 from vector<1xi32>
        %and3A_271 = arith.constant 7 : i32
        %and3A_272 = arith.andi %squeeze3A_270, %and3A_271 : i32
        %mul3A_273 = arith.constant 5 : i32
        %mul3A_274 = arith.muli %mul3A_273, %scan3A_258 : i32
        %get3A_275 = arith.index_cast %mul3A_274 : i32 to index
        %get3A_276 = arith.index_cast %and3A_268 : i32 to index
        %get3A_277 = arith.constant 0 : index
        %get3A_278 = tpu.vector_load %arg6[%get3A_275, %get3A_276, %get3A_277] {strides = array<i32>} : memref<40x8x64xf32, #tpu.memory_space<vmem>>, vector<16xf32>,
        %mul3A_279 = arith.constant 5 : i32
        %mul3A_280 = arith.muli %mul3A_279, %scan3A_258 : i32
        %add3A_281 = arith.constant 1 : i32
        %add3A_282 = arith.addi %mul3A_280, %add3A_281 : i32
        %get3A_283 = arith.index_cast %add3A_282 : i32 to index
        %get3A_284 = arith.index_cast %and3A_272 : i32 to index
        %get3A_285 = arith.constant 0 : index
        %get3A_286 = tpu.vector_load %arg6[%get3A_283, %get3A_284, %get3A_285] {strides = array<i32>} : memref<40x8x64xf32, #tpu.memory_space<vmem>>, vector<16xf32>,
        %sub3A_287 = arith.subf %get3A_278, %get3A_286 : vector<16xf32>
        %mul3A_288 = arith.mulf %sub3A_287, %sub3A_287 : vector<16xf32>
        %mul3A_289 = arith.constant 5 : i32
        %mul3A_290 = arith.muli %mul3A_289, %scan3A_258 : i32
        %get3A_291 = arith.index_cast %mul3A_290 : i32 to index
        %get3A_292 = arith.index_cast %and3A_268 : i32 to index
        %get3A_293 = arith.constant 16 : index
        %get3A_294 = tpu.vector_load %arg6[%get3A_291, %get3A_292, %get3A_293] {strides = array<i32>} : memref<40x8x64xf32, #tpu.memory_space<vmem>>, vector<16xf32>,
        %mul3A_295 = arith.constant 5 : i32
        %mul3A_296 = arith.muli %mul3A_295, %scan3A_258 : i32
        %add3A_297 = arith.constant 1 : i32
        %add3A_298 = arith.addi %mul3A_296, %add3A_297 : i32
        %get3A_299 = arith.index_cast %add3A_298 : i32 to index
        %get3A_300 = arith.index_cast %and3A_272 : i32 to index
        %get3A_301 = arith.constant 16 : index
        %get3A_302 = tpu.vector_load %arg6[%get3A_299, %get3A_300, %get3A_301] {strides = array<i32>} : memref<40x8x64xf32, #tpu.memory_space<vmem>>, vector<16xf32>,
        %sub3A_303 = arith.subf %get3A_294, %get3A_302 : vector<16xf32>
        %mul3A_304 = arith.mulf %sub3A_303, %sub3A_303 : vector<16xf32>
        %add3A_305 = arith.addf %mul3A_288, %mul3A_304 : vector<16xf32>
        %mul3A_306 = arith.constant 5 : i32
        %mul3A_307 = arith.muli %mul3A_306, %scan3A_258 : i32
        %get3A_308 = arith.index_cast %mul3A_307 : i32 to index
        %get3A_309 = arith.index_cast %and3A_268 : i32 to index
        %get3A_310 = arith.constant 32 : index
        %get3A_311 = tpu.vector_load %arg6[%get3A_308, %get3A_309, %get3A_310] {strides = array<i32>} : memref<40x8x64xf32, #tpu.memory_space<vmem>>, vector<16xf32>,
        %mul3A_312 = arith.constant 5 : i32
        %mul3A_313 = arith.muli %mul3A_312, %scan3A_258 : i32
        %add3A_314 = arith.constant 1 : i32
        %add3A_315 = arith.addi %mul3A_313, %add3A_314 : i32
        %get3A_316 = arith.index_cast %add3A_315 : i32 to index
        %get3A_317 = arith.index_cast %and3A_272 : i32 to index
        %get3A_318 = arith.constant 32 : index
        %get3A_319 = tpu.vector_load %arg6[%get3A_316, %get3A_317, %get3A_318] {strides = array<i32>} : memref<40x8x64xf32, #tpu.memory_space<vmem>>, vector<16xf32>,
        %sub3A_320 = arith.subf %get3A_311, %get3A_319 : vector<16xf32>
        %mul3A_321 = arith.mulf %sub3A_320, %sub3A_320 : vector<16xf32>
        %add3A_322 = arith.addf %add3A_305, %mul3A_321 : vector<16xf32>
        %mul3A_323 = arith.constant 5 : i32
        %mul3A_324 = arith.muli %mul3A_323, %scan3A_258 : i32
        %get3A_325 = arith.index_cast %mul3A_324 : i32 to index
        %get3A_326 = arith.index_cast %and3A_268 : i32 to index
        %get3A_327 = arith.constant 48 : index
        %get3A_328 = tpu.vector_load %arg6[%get3A_325, %get3A_326, %get3A_327] {strides = array<i32>} : memref<40x8x64xf32, #tpu.memory_space<vmem>>, vector<16xf32>,
        %mul3A_329 = arith.constant 5 : i32
        %mul3A_330 = arith.muli %mul3A_329, %scan3A_258 : i32
        %add3A_331 = arith.constant 1 : i32
        %add3A_332 = arith.addi %mul3A_330, %add3A_331 : i32
        %get3A_333 = arith.index_cast %add3A_332 : i32 to index
        %get3A_334 = arith.index_cast %and3A_272 : i32 to index
        %get3A_335 = arith.constant 48 : index
        %get3A_336 = tpu.vector_load %arg6[%get3A_333, %get3A_334, %get3A_335] {strides = array<i32>} : memref<40x8x64xf32, #tpu.memory_space<vmem>>, vector<16xf32>,
        %sub3A_337 = arith.subf %get3A_328, %get3A_336 : vector<16xf32>
        %mul3A_338 = arith.mulf %sub3A_337, %sub3A_337 : vector<16xf32>
        %add3A_339 = arith.addf %add3A_322, %mul3A_338 : vector<16xf32>
        %cumsum3A = arith.constant true
        %cumsum3A_340 = vector.broadcast %cumsum3A : i1 to vector<16xi1>
        %cumsum3A_341 = tpu.scan <sum>, %add3A_339 masked %cumsum3A_340 : vector<16xf32>, vector<16xi1> -> vector<16xf32>
        %add3A_342 = arith.constant 0 : i32
        %add3A_343 = vector.broadcast %add3A_342 : i32 to vector<16xi32>
        %add3A_344 = arith.addi %broadcast_in_dim3A, %add3A_343 : vector<16xi32>
        tpu.vector_store_idx %arg8[%add3A_344], %cumsum3A_341 masked %eq3A_36 : memref<112xf32, #tpu.memory_space<vmem>>[vector<16xi32>], vector<16xf32>, vector<16xi1>
        %slice3A_345 = vector.extract_strided_slice %get3A_265 {offsets = [2], sizes = [1], strides = [1]} : vector<16xi32> to vector<1xi32>
        %squeeze3A_346 = vector.extract %slice3A_345[0] : i32 from vector<1xi32>
        %and3A_347 = arith.constant 7 : i32
        %and3A_348 = arith.andi %squeeze3A_346, %and3A_347 : i32
        %mul3A_349 = arith.constant 5 : i32
        %mul3A_350 = arith.muli %mul3A_349, %scan3A_258 : i32
        %add3A_351 = arith.constant 2 : i32
        %add3A_352 = arith.addi %mul3A_350, %add3A_351 : i32
        %add3A_353 = arith.constant 0 : i32
        %add3A_354 = arith.addi %add3A_352, %add3A_353 : i32
        %get3A_355 = arith.index_cast %add3A_354 : i32 to index
        %get3A_356 = arith.index_cast %and3A_348 : i32 to index
        %get3A_357 = arith.constant 0 : index
        %get3A_358 = tpu.vector_load %arg6[%get3A_355, %get3A_356, %get3A_357] {strides = array<i32>} : memref<40x8x64xf32, #tpu.memory_space<vmem>>, vector<16xf32>,
        %mul3A_359 = arith.mulf %sub3A_287, %get3A_358 : vector<16xf32>
        %mul3A_360 = arith.mulf %get3A_358, %get3A_358 : vector<16xf32>
        %mul3A_361 = arith.constant 5 : i32
        %mul3A_362 = arith.muli %mul3A_361, %scan3A_258 : i32
        %add3A_363 = arith.constant 2 : i32
        %add3A_364 = arith.addi %mul3A_362, %add3A_363 : i32
        %add3A_365 = arith.constant 0 : i32
        %add3A_366 = arith.addi %add3A_364, %add3A_365 : i32
        %get3A_367 = arith.index_cast %add3A_366 : i32 to index
        %get3A_368 = arith.index_cast %and3A_348 : i32 to index
        %get3A_369 = arith.constant 16 : index
        %get3A_370 = tpu.vector_load %arg6[%get3A_367, %get3A_368, %get3A_369] {strides = array<i32>} : memref<40x8x64xf32, #tpu.memory_space<vmem>>, vector<16xf32>,
        %mul3A_371 = arith.mulf %sub3A_303, %get3A_370 : vector<16xf32>
        %add3A_372 = arith.addf %mul3A_359, %mul3A_371 : vector<16xf32>
        %mul3A_373 = arith.mulf %get3A_370, %get3A_370 : vector<16xf32>
        %add3A_374 = arith.addf %mul3A_360, %mul3A_373 : vector<16xf32>
        %mul3A_375 = arith.constant 5 : i32
        %mul3A_376 = arith.muli %mul3A_375, %scan3A_258 : i32
        %add3A_377 = arith.constant 2 : i32
        %add3A_378 = arith.addi %mul3A_376, %add3A_377 : i32
        %add3A_379 = arith.constant 0 : i32
        %add3A_380 = arith.addi %add3A_378, %add3A_379 : i32
        %get3A_381 = arith.index_cast %add3A_380 : i32 to index
        %get3A_382 = arith.index_cast %and3A_348 : i32 to index
        %get3A_383 = arith.constant 32 : index
        %get3A_384 = tpu.vector_load %arg6[%get3A_381, %get3A_382, %get3A_383] {strides = array<i32>} : memref<40x8x64xf32, #tpu.memory_space<vmem>>, vector<16xf32>,
        %mul3A_385 = arith.mulf %sub3A_320, %get3A_384 : vector<16xf32>
        %add3A_386 = arith.addf %add3A_372, %mul3A_385 : vector<16xf32>
        %mul3A_387 = arith.mulf %get3A_384, %get3A_384 : vector<16xf32>
        %add3A_388 = arith.addf %add3A_374, %mul3A_387 : vector<16xf32>
        %mul3A_389 = arith.constant 5 : i32
        %mul3A_390 = arith.muli %mul3A_389, %scan3A_258 : i32
        %add3A_391 = arith.constant 2 : i32
        %add3A_392 = arith.addi %mul3A_390, %add3A_391 : i32
        %add3A_393 = arith.constant 0 : i32
        %add3A_394 = arith.addi %add3A_392, %add3A_393 : i32
        %get3A_395 = arith.index_cast %add3A_394 : i32 to index
        %get3A_396 = arith.index_cast %and3A_348 : i32 to index
        %get3A_397 = arith.constant 48 : index
        %get3A_398 = tpu.vector_load %arg6[%get3A_395, %get3A_396, %get3A_397] {strides = array<i32>} : memref<40x8x64xf32, #tpu.memory_space<vmem>>, vector<16xf32>,
        %mul3A_399 = arith.mulf %sub3A_337, %get3A_398 : vector<16xf32>
        %add3A_400 = arith.addf %add3A_386, %mul3A_399 : vector<16xf32>
        %mul3A_401 = arith.mulf %get3A_398, %get3A_398 : vector<16xf32>
        %add3A_402 = arith.addf %add3A_388, %mul3A_401 : vector<16xf32>
        %cumsum3A_403 = arith.constant true
        %cumsum3A_404 = vector.broadcast %cumsum3A_403 : i1 to vector<16xi1>
        %cumsum3A_405 = tpu.scan <sum>, %add3A_400 masked %cumsum3A_404 : vector<16xf32>, vector<16xi1> -> vector<16xf32>
        %add3A_406 = arith.constant 16 : i32
        %add3A_407 = vector.broadcast %add3A_406 : i32 to vector<16xi32>
        %add3A_408 = arith.addi %broadcast_in_dim3A, %add3A_407 : vector<16xi32>
        tpu.vector_store_idx %arg8[%add3A_408], %cumsum3A_405 masked %eq3A_36 : memref<112xf32, #tpu.memory_space<vmem>>[vector<16xi32>], vector<16xf32>, vector<16xi1>
        %cumsum3A_409 = arith.constant true
        %cumsum3A_410 = vector.broadcast %cumsum3A_409 : i1 to vector<16xi1>
        %cumsum3A_411 = tpu.scan <sum>, %add3A_402 masked %cumsum3A_410 : vector<16xf32>, vector<16xi1> -> vector<16xf32>
        %add3A_412 = arith.constant 64 : i32
        %add3A_413 = vector.broadcast %add3A_412 : i32 to vector<16xi32>
        %add3A_414 = arith.addi %broadcast_in_dim3A, %add3A_413 : vector<16xi32>
        tpu.vector_store_idx %arg8[%add3A_414], %cumsum3A_411 masked %eq3A_36 : memref<112xf32, #tpu.memory_space<vmem>>[vector<16xi32>], vector<16xf32>, vector<16xi1>
        %slice3A_415 = vector.extract_strided_slice %get3A_265 {offsets = [3], sizes = [1], strides = [1]} : vector<16xi32> to vector<1xi32>
        %squeeze3A_416 = vector.extract %slice3A_415[0] : i32 from vector<1xi32>
        %and3A_417 = arith.constant 7 : i32
        %and3A_418 = arith.andi %squeeze3A_416, %and3A_417 : i32
        %mul3A_419 = arith.constant 5 : i32
        %mul3A_420 = arith.muli %mul3A_419, %scan3A_258 : i32
        %add3A_421 = arith.constant 2 : i32
        %add3A_422 = arith.addi %mul3A_420, %add3A_421 : i32
        %add3A_423 = arith.constant 1 : i32
        %add3A_424 = arith.addi %add3A_422, %add3A_423 : i32
        %get3A_425 = arith.index_cast %add3A_424 : i32 to index
        %get3A_426 = arith.index_cast %and3A_418 : i32 to index
        %get3A_427 = arith.constant 0 : index
        %get3A_428 = tpu.vector_load %arg6[%get3A_425, %get3A_426, %get3A_427] {strides = array<i32>} : memref<40x8x64xf32, #tpu.memory_space<vmem>>, vector<16xf32>,
        %mul3A_429 = arith.mulf %sub3A_287, %get3A_428 : vector<16xf32>
        %mul3A_430 = arith.mulf %get3A_428, %get3A_428 : vector<16xf32>
        %mul3A_431 = arith.constant 5 : i32
        %mul3A_432 = arith.muli %mul3A_431, %scan3A_258 : i32
        %add3A_433 = arith.constant 2 : i32
        %add3A_434 = arith.addi %mul3A_432, %add3A_433 : i32
        %add3A_435 = arith.constant 1 : i32
        %add3A_436 = arith.addi %add3A_434, %add3A_435 : i32
        %get3A_437 = arith.index_cast %add3A_436 : i32 to index
        %get3A_438 = arith.index_cast %and3A_418 : i32 to index
        %get3A_439 = arith.constant 16 : index
        %get3A_440 = tpu.vector_load %arg6[%get3A_437, %get3A_438, %get3A_439] {strides = array<i32>} : memref<40x8x64xf32, #tpu.memory_space<vmem>>, vector<16xf32>,
        %mul3A_441 = arith.mulf %sub3A_303, %get3A_440 : vector<16xf32>
        %add3A_442 = arith.addf %mul3A_429, %mul3A_441 : vector<16xf32>
        %mul3A_443 = arith.mulf %get3A_440, %get3A_440 : vector<16xf32>
        %add3A_444 = arith.addf %mul3A_430, %mul3A_443 : vector<16xf32>
        %mul3A_445 = arith.constant 5 : i32
        %mul3A_446 = arith.muli %mul3A_445, %scan3A_258 : i32
        %add3A_447 = arith.constant 2 : i32
        %add3A_448 = arith.addi %mul3A_446, %add3A_447 : i32
        %add3A_449 = arith.constant 1 : i32
        %add3A_450 = arith.addi %add3A_448, %add3A_449 : i32
        %get3A_451 = arith.index_cast %add3A_450 : i32 to index
        %get3A_452 = arith.index_cast %and3A_418 : i32 to index
        %get3A_453 = arith.constant 32 : index
        %get3A_454 = tpu.vector_load %arg6[%get3A_451, %get3A_452, %get3A_453] {strides = array<i32>} : memref<40x8x64xf32, #tpu.memory_space<vmem>>, vector<16xf32>,
        %mul3A_455 = arith.mulf %sub3A_320, %get3A_454 : vector<16xf32>
        %add3A_456 = arith.addf %add3A_442, %mul3A_455 : vector<16xf32>
        %mul3A_457 = arith.mulf %get3A_454, %get3A_454 : vector<16xf32>
        %add3A_458 = arith.addf %add3A_444, %mul3A_457 : vector<16xf32>
        %mul3A_459 = arith.constant 5 : i32
        %mul3A_460 = arith.muli %mul3A_459, %scan3A_258 : i32
        %add3A_461 = arith.constant 2 : i32
        %add3A_462 = arith.addi %mul3A_460, %add3A_461 : i32
        %add3A_463 = arith.constant 1 : i32
        %add3A_464 = arith.addi %add3A_462, %add3A_463 : i32
        %get3A_465 = arith.index_cast %add3A_464 : i32 to index
        %get3A_466 = arith.index_cast %and3A_418 : i32 to index
        %get3A_467 = arith.constant 48 : index
        %get3A_468 = tpu.vector_load %arg6[%get3A_465, %get3A_466, %get3A_467] {strides = array<i32>} : memref<40x8x64xf32, #tpu.memory_space<vmem>>, vector<16xf32>,
        %mul3A_469 = arith.mulf %sub3A_337, %get3A_468 : vector<16xf32>
        %add3A_470 = arith.addf %add3A_456, %mul3A_469 : vector<16xf32>
        %mul3A_471 = arith.mulf %get3A_468, %get3A_468 : vector<16xf32>
        %add3A_472 = arith.addf %add3A_458, %mul3A_471 : vector<16xf32>
        %cumsum3A_473 = arith.constant true
        %cumsum3A_474 = vector.broadcast %cumsum3A_473 : i1 to vector<16xi1>
        %cumsum3A_475 = tpu.scan <sum>, %add3A_470 masked %cumsum3A_474 : vector<16xf32>, vector<16xi1> -> vector<16xf32>
        %add3A_476 = arith.constant 32 : i32
        %add3A_477 = vector.broadcast %add3A_476 : i32 to vector<16xi32>
        %add3A_478 = arith.addi %broadcast_in_dim3A, %add3A_477 : vector<16xi32>
        tpu.vector_store_idx %arg8[%add3A_478], %cumsum3A_475 masked %eq3A_36 : memref<112xf32, #tpu.memory_space<vmem>>[vector<16xi32>], vector<16xf32>, vector<16xi1>
        %cumsum3A_479 = arith.constant true
        %cumsum3A_480 = vector.broadcast %cumsum3A_479 : i1 to vector<16xi1>
        %cumsum3A_481 = tpu.scan <sum>, %add3A_472 masked %cumsum3A_480 : vector<16xf32>, vector<16xi1> -> vector<16xf32>
        %add3A_482 = arith.constant 80 : i32
        %add3A_483 = vector.broadcast %add3A_482 : i32 to vector<16xi32>
        %add3A_484 = arith.addi %broadcast_in_dim3A, %add3A_483 : vector<16xi32>
        tpu.vector_store_idx %arg8[%add3A_484], %cumsum3A_481 masked %eq3A_36 : memref<112xf32, #tpu.memory_space<vmem>>[vector<16xi32>], vector<16xf32>, vector<16xi1>
        %slice3A_485 = vector.extract_strided_slice %get3A_265 {offsets = [4], sizes = [1], strides = [1]} : vector<16xi32> to vector<1xi32>
        %squeeze3A_486 = vector.extract %slice3A_485[0] : i32 from vector<1xi32>
        %and3A_487 = arith.constant 7 : i32
        %and3A_488 = arith.andi %squeeze3A_486, %and3A_487 : i32
        %mul3A_489 = arith.constant 5 : i32
        %mul3A_490 = arith.muli %mul3A_489, %scan3A_258 : i32
        %add3A_491 = arith.constant 2 : i32
        %add3A_492 = arith.addi %mul3A_490, %add3A_491 : i32
        %add3A_493 = arith.constant 2 : i32
        %add3A_494 = arith.addi %add3A_492, %add3A_493 : i32
        %get3A_495 = arith.index_cast %add3A_494 : i32 to index
        %get3A_496 = arith.index_cast %and3A_488 : i32 to index
        %get3A_497 = arith.constant 0 : index
        %get3A_498 = tpu.vector_load %arg6[%get3A_495, %get3A_496, %get3A_497] {strides = array<i32>} : memref<40x8x64xf32, #tpu.memory_space<vmem>>, vector<16xf32>,
        %mul3A_499 = arith.mulf %sub3A_287, %get3A_498 : vector<16xf32>
        %mul3A_500 = arith.mulf %get3A_498, %get3A_498 : vector<16xf32>
        %mul3A_501 = arith.constant 5 : i32
        %mul3A_502 = arith.muli %mul3A_501, %scan3A_258 : i32
        %add3A_503 = arith.constant 2 : i32
        %add3A_504 = arith.addi %mul3A_502, %add3A_503 : i32
        %add3A_505 = arith.constant 2 : i32
        %add3A_506 = arith.addi %add3A_504, %add3A_505 : i32
        %get3A_507 = arith.index_cast %add3A_506 : i32 to index
        %get3A_508 = arith.index_cast %and3A_488 : i32 to index
        %get3A_509 = arith.constant 16 : index
        %get3A_510 = tpu.vector_load %arg6[%get3A_507, %get3A_508, %get3A_509] {strides = array<i32>} : memref<40x8x64xf32, #tpu.memory_space<vmem>>, vector<16xf32>,
        %mul3A_511 = arith.mulf %sub3A_303, %get3A_510 : vector<16xf32>
        %add3A_512 = arith.addf %mul3A_499, %mul3A_511 : vector<16xf32>
        %mul3A_513 = arith.mulf %get3A_510, %get3A_510 : vector<16xf32>
        %add3A_514 = arith.addf %mul3A_500, %mul3A_513 : vector<16xf32>
        %mul3A_515 = arith.constant 5 : i32
        %mul3A_516 = arith.muli %mul3A_515, %scan3A_258 : i32
        %add3A_517 = arith.constant 2 : i32
        %add3A_518 = arith.addi %mul3A_516, %add3A_517 : i32
        %add3A_519 = arith.constant 2 : i32
        %add3A_520 = arith.addi %add3A_518, %add3A_519 : i32
        %get3A_521 = arith.index_cast %add3A_520 : i32 to index
        %get3A_522 = arith.index_cast %and3A_488 : i32 to index
        %get3A_523 = arith.constant 32 : index
        %get3A_524 = tpu.vector_load %arg6[%get3A_521, %get3A_522, %get3A_523] {strides = array<i32>} : memref<40x8x64xf32, #tpu.memory_space<vmem>>, vector<16xf32>,
        %mul3A_525 = arith.mulf %sub3A_320, %get3A_524 : vector<16xf32>
        %add3A_526 = arith.addf %add3A_512, %mul3A_525 : vector<16xf32>
        %mul3A_527 = arith.mulf %get3A_524, %get3A_524 : vector<16xf32>
        %add3A_528 = arith.addf %add3A_514, %mul3A_527 : vector<16xf32>
        %mul3A_529 = arith.constant 5 : i32
        %mul3A_530 = arith.muli %mul3A_529, %scan3A_258 : i32
        %add3A_531 = arith.constant 2 : i32
        %add3A_532 = arith.addi %mul3A_530, %add3A_531 : i32
        %add3A_533 = arith.constant 2 : i32
        %add3A_534 = arith.addi %add3A_532, %add3A_533 : i32
        %get3A_535 = arith.index_cast %add3A_534 : i32 to index
        %get3A_536 = arith.index_cast %and3A_488 : i32 to index
        %get3A_537 = arith.constant 48 : index
        %get3A_538 = tpu.vector_load %arg6[%get3A_535, %get3A_536, %get3A_537] {strides = array<i32>} : memref<40x8x64xf32, #tpu.memory_space<vmem>>, vector<16xf32>,
        %mul3A_539 = arith.mulf %sub3A_337, %get3A_538 : vector<16xf32>
        %add3A_540 = arith.addf %add3A_526, %mul3A_539 : vector<16xf32>
        %mul3A_541 = arith.mulf %get3A_538, %get3A_538 : vector<16xf32>
        %add3A_542 = arith.addf %add3A_528, %mul3A_541 : vector<16xf32>
        %cumsum3A_543 = arith.constant true
        %cumsum3A_544 = vector.broadcast %cumsum3A_543 : i1 to vector<16xi1>
        %cumsum3A_545 = tpu.scan <sum>, %add3A_540 masked %cumsum3A_544 : vector<16xf32>, vector<16xi1> -> vector<16xf32>
        %add3A_546 = arith.constant 48 : i32
        %add3A_547 = vector.broadcast %add3A_546 : i32 to vector<16xi32>
        %add3A_548 = arith.addi %broadcast_in_dim3A, %add3A_547 : vector<16xi32>
        tpu.vector_store_idx %arg8[%add3A_548], %cumsum3A_545 masked %eq3A_36 : memref<112xf32, #tpu.memory_space<vmem>>[vector<16xi32>], vector<16xf32>, vector<16xi1>
        %cumsum3A_549 = arith.constant true
        %cumsum3A_550 = vector.broadcast %cumsum3A_549 : i1 to vector<16xi1>
        %cumsum3A_551 = tpu.scan <sum>, %add3A_542 masked %cumsum3A_550 : vector<16xf32>, vector<16xi1> -> vector<16xf32>
        %add3A_552 = arith.constant 96 : i32
        %add3A_553 = vector.broadcast %add3A_552 : i32 to vector<16xi32>
        %add3A_554 = arith.addi %broadcast_in_dim3A, %add3A_553 : vector<16xi32>
        tpu.vector_store_idx %arg8[%add3A_554], %cumsum3A_551 masked %eq3A_36 : memref<112xf32, #tpu.memory_space<vmem>>[vector<16xi32>], vector<16xf32>, vector<16xi1>
      }
      %scan3A_42 = arith.constant 8 : i32
      %add3A_43 = arith.constant 2 : i32
      %add3A_44 = arith.addi %mul3A_18, %add3A_43 : i32
      %lt3A = arith.constant 64 : i32
      %lt3A_45 = arith.cmpi slt, %add3A_44, %lt3A : i32
      %convert_element_type3A = arith.extui %lt3A_45 : i1 to i32
      %cond3A = arith.constant 0 : i32
      %cond3A_46 = arith.cmpi ne, %convert_element_type3A, %cond3A : i32
      scf.if %cond3A_46 {
        %add3A_258 = arith.constant 2 : i32
        %add3A_259 = arith.addi %mul3A_18, %add3A_258 : i32
        %scan3A_260 = arith.constant 0 : i32
        %scan3A_261 = arith.constant 0 : i32
        %scan3A_262 = arith.constant 8 : i32
        %scan3A_263 = arith.addi %scan3A_261, %scan3A_262 : i32
        %scan3A_264 = arith.constant 1 : i32
        scf.for %scan3A_266 = %scan3A_261 to %scan3A_263 step %scan3A_264  : i32 {
          %mul3A_267 = arith.constant 40 : i32
          %mul3A_268 = arith.muli %add3A_259, %mul3A_267 : i32
          %mul3A_269 = arith.constant 5 : i32
          %mul3A_270 = arith.muli %mul3A_269, %scan3A_266 : i32
          %add3A_271 = arith.addi %mul3A_268, %mul3A_270 : i32
          %get3A_272 = arith.index_cast %add3A_271 : i32 to index
          %get3A_273 = tpu.vector_load %arg5[%get3A_272] {strides = array<i32>} : memref<2576xi32, #tpu.memory_space<vmem>>, vector<16xi32>,
          %slice3A = vector.extract_strided_slice %get3A_273 {offsets = [0], sizes = [1], strides = [1]} : vector<16xi32> to vector<1xi32>
          %squeeze3A = vector.extract %slice3A[0] : i32 from vector<1xi32>
          %shift_right_arithmetic3A = arith.constant 3 : i32
          %shift_right_arithmetic3A_274 = arith.shrsi %squeeze3A, %shift_right_arithmetic3A : i32
          %mul3A_275 = arith.constant 5 : i32
          %mul3A_276 = arith.muli %mul3A_275, %scan3A_266 : i32
          %add3A_277 = arith.constant 0 : i32
          %add3A_278 = arith.addi %mul3A_276, %add3A_277 : i32
          %dma_start3A = arith.constant 0 : i32
          %dma_start3A_279 = arith.constant 0 : i32
          %dma_start3A_280 = tpu.memref_slice %arg6[%add3A_278, %dma_start3A, %dma_start3A_279] : memref<40x8x64xf32, #tpu.memory_space<vmem>> -> memref<1x8x64xf32, #tpu.memory_space<vmem>>
          %dma_start3A_281 = tpu.memref_squeeze %dma_start3A_280 : memref<1x8x64xf32, #tpu.memory_space<vmem>> -> memref<8x64xf32, #tpu.memory_space<vmem>>
          %dma_start3A_282 = arith.constant 0 : i32
          %dma_start3A_283 = arith.constant 0 : i32
          %dma_start3A_284 = tpu.memref_slice %arg3[%shift_right_arithmetic3A_274, %dma_start3A_282, %dma_start3A_283] : memref<125000x8x64xf32, #tpu.memory_space<hbm>> -> memref<1x8x64xf32, #tpu.memory_space<hbm>>
          %dma_start3A_285 = tpu.memref_squeeze %dma_start3A_284 : memref<1x8x64xf32, #tpu.memory_space<hbm>> -> memref<8x64xf32, #tpu.memory_space<hbm>>
          %dma_start3A_286 = arith.constant 0 : i32
          %dma_start3A_287 = arith.constant 0 : i32
          %dma_start3A_288 = tpu.memref_slice %arg6[%add3A_278, %dma_start3A_286, %dma_start3A_287] : memref<40x8x64xf32, #tpu.memory_space<vmem>> -> memref<1x8x64xf32, #tpu.memory_space<vmem>>
          %dma_start3A_289 = tpu.memref_squeeze %dma_start3A_288 : memref<1x8x64xf32, #tpu.memory_space<vmem>> -> memref<8x64xf32, #tpu.memory_space<vmem>>
          %dma_start3A_290 = arith.constant 0 : i32
          %dma_start3A_291 = arith.constant 0 : i32
          %dma_start3A_292 = tpu.memref_slice %arg3[%shift_right_arithmetic3A_274, %dma_start3A_290, %dma_start3A_291] : memref<125000x8x64xf32, #tpu.memory_space<hbm>> -> memref<1x8x64xf32, #tpu.memory_space<hbm>>
          %dma_start3A_293 = tpu.memref_squeeze %dma_start3A_292 : memref<1x8x64xf32, #tpu.memory_space<hbm>> -> memref<8x64xf32, #tpu.memory_space<hbm>>
          tpu.enqueue_dma source(%dma_start3A_293 : memref<8x64xf32, #tpu.memory_space<hbm>>) target(%dma_start3A_289 : memref<8x64xf32, #tpu.memory_space<vmem>>) target_semaphore(%arg10 : memref<!tpu.dma_semaphore, #tpu.memory_space<semaphore_mem>>)
          %slice3A_294 = vector.extract_strided_slice %get3A_273 {offsets = [1], sizes = [1], strides = [1]} : vector<16xi32> to vector<1xi32>
          %squeeze3A_295 = vector.extract %slice3A_294[0] : i32 from vector<1xi32>
          %shift_right_arithmetic3A_296 = arith.constant 3 : i32
          %shift_right_arithmetic3A_297 = arith.shrsi %squeeze3A_295, %shift_right_arithmetic3A_296 : i32
          %mul3A_298 = arith.constant 5 : i32
          %mul3A_299 = arith.muli %mul3A_298, %scan3A_266 : i32
          %add3A_300 = arith.constant 1 : i32
          %add3A_301 = arith.addi %mul3A_299, %add3A_300 : i32
          %dma_start3A_302 = arith.constant 0 : i32
          %dma_start3A_303 = arith.constant 0 : i32
          %dma_start3A_304 = tpu.memref_slice %arg6[%add3A_301, %dma_start3A_302, %dma_start3A_303] : memref<40x8x64xf32, #tpu.memory_space<vmem>> -> memref<1x8x64xf32, #tpu.memory_space<vmem>>
          %dma_start3A_305 = tpu.memref_squeeze %dma_start3A_304 : memref<1x8x64xf32, #tpu.memory_space<vmem>> -> memref<8x64xf32, #tpu.memory_space<vmem>>
          %dma_start3A_306 = arith.constant 0 : i32
          %dma_start3A_307 = arith.constant 0 : i32
          %dma_start3A_308 = tpu.memref_slice %arg3[%shift_right_arithmetic3A_297, %dma_start3A_306, %dma_start3A_307] : memref<125000x8x64xf32, #tpu.memory_space<hbm>> -> memref<1x8x64xf32, #tpu.memory_space<hbm>>
          %dma_start3A_309 = tpu.memref_squeeze %dma_start3A_308 : memref<1x8x64xf32, #tpu.memory_space<hbm>> -> memref<8x64xf32, #tpu.memory_space<hbm>>
          %dma_start3A_310 = arith.constant 0 : i32
          %dma_start3A_311 = arith.constant 0 : i32
          %dma_start3A_312 = tpu.memref_slice %arg6[%add3A_301, %dma_start3A_310, %dma_start3A_311] : memref<40x8x64xf32, #tpu.memory_space<vmem>> -> memref<1x8x64xf32, #tpu.memory_space<vmem>>
          %dma_start3A_313 = tpu.memref_squeeze %dma_start3A_312 : memref<1x8x64xf32, #tpu.memory_space<vmem>> -> memref<8x64xf32, #tpu.memory_space<vmem>>
          %dma_start3A_314 = arith.constant 0 : i32
          %dma_start3A_315 = arith.constant 0 : i32
          %dma_start3A_316 = tpu.memref_slice %arg3[%shift_right_arithmetic3A_297, %dma_start3A_314, %dma_start3A_315] : memref<125000x8x64xf32, #tpu.memory_space<hbm>> -> memref<1x8x64xf32, #tpu.memory_space<hbm>>
          %dma_start3A_317 = tpu.memref_squeeze %dma_start3A_316 : memref<1x8x64xf32, #tpu.memory_space<hbm>> -> memref<8x64xf32, #tpu.memory_space<hbm>>
          tpu.enqueue_dma source(%dma_start3A_317 : memref<8x64xf32, #tpu.memory_space<hbm>>) target(%dma_start3A_313 : memref<8x64xf32, #tpu.memory_space<vmem>>) target_semaphore(%arg10 : memref<!tpu.dma_semaphore, #tpu.memory_space<semaphore_mem>>)
          %slice3A_318 = vector.extract_strided_slice %get3A_273 {offsets = [2], sizes = [1], strides = [1]} : vector<16xi32> to vector<1xi32>
          %squeeze3A_319 = vector.extract %slice3A_318[0] : i32 from vector<1xi32>
          %shift_right_arithmetic3A_320 = arith.constant 3 : i32
          %shift_right_arithmetic3A_321 = arith.shrsi %squeeze3A_319, %shift_right_arithmetic3A_320 : i32
          %mul3A_322 = arith.constant 5 : i32
          %mul3A_323 = arith.muli %mul3A_322, %scan3A_266 : i32
          %add3A_324 = arith.constant 2 : i32
          %add3A_325 = arith.addi %mul3A_323, %add3A_324 : i32
          %dma_start3A_326 = arith.constant 0 : i32
          %dma_start3A_327 = arith.constant 0 : i32
          %dma_start3A_328 = tpu.memref_slice %arg6[%add3A_325, %dma_start3A_326, %dma_start3A_327] : memref<40x8x64xf32, #tpu.memory_space<vmem>> -> memref<1x8x64xf32, #tpu.memory_space<vmem>>
          %dma_start3A_329 = tpu.memref_squeeze %dma_start3A_328 : memref<1x8x64xf32, #tpu.memory_space<vmem>> -> memref<8x64xf32, #tpu.memory_space<vmem>>
          %dma_start3A_330 = arith.constant 0 : i32
          %dma_start3A_331 = arith.constant 0 : i32
          %dma_start3A_332 = tpu.memref_slice %arg3[%shift_right_arithmetic3A_321, %dma_start3A_330, %dma_start3A_331] : memref<125000x8x64xf32, #tpu.memory_space<hbm>> -> memref<1x8x64xf32, #tpu.memory_space<hbm>>
          %dma_start3A_333 = tpu.memref_squeeze %dma_start3A_332 : memref<1x8x64xf32, #tpu.memory_space<hbm>> -> memref<8x64xf32, #tpu.memory_space<hbm>>
          %dma_start3A_334 = arith.constant 0 : i32
          %dma_start3A_335 = arith.constant 0 : i32
          %dma_start3A_336 = tpu.memref_slice %arg6[%add3A_325, %dma_start3A_334, %dma_start3A_335] : memref<40x8x64xf32, #tpu.memory_space<vmem>> -> memref<1x8x64xf32, #tpu.memory_space<vmem>>
          %dma_start3A_337 = tpu.memref_squeeze %dma_start3A_336 : memref<1x8x64xf32, #tpu.memory_space<vmem>> -> memref<8x64xf32, #tpu.memory_space<vmem>>
          %dma_start3A_338 = arith.constant 0 : i32
          %dma_start3A_339 = arith.constant 0 : i32
          %dma_start3A_340 = tpu.memref_slice %arg3[%shift_right_arithmetic3A_321, %dma_start3A_338, %dma_start3A_339] : memref<125000x8x64xf32, #tpu.memory_space<hbm>> -> memref<1x8x64xf32, #tpu.memory_space<hbm>>
          %dma_start3A_341 = tpu.memref_squeeze %dma_start3A_340 : memref<1x8x64xf32, #tpu.memory_space<hbm>> -> memref<8x64xf32, #tpu.memory_space<hbm>>
          tpu.enqueue_dma source(%dma_start3A_341 : memref<8x64xf32, #tpu.memory_space<hbm>>) target(%dma_start3A_337 : memref<8x64xf32, #tpu.memory_space<vmem>>) target_semaphore(%arg10 : memref<!tpu.dma_semaphore, #tpu.memory_space<semaphore_mem>>)
          %slice3A_342 = vector.extract_strided_slice %get3A_273 {offsets = [3], sizes = [1], strides = [1]} : vector<16xi32> to vector<1xi32>
          %squeeze3A_343 = vector.extract %slice3A_342[0] : i32 from vector<1xi32>
          %shift_right_arithmetic3A_344 = arith.constant 3 : i32
          %shift_right_arithmetic3A_345 = arith.shrsi %squeeze3A_343, %shift_right_arithmetic3A_344 : i32
          %mul3A_346 = arith.constant 5 : i32
          %mul3A_347 = arith.muli %mul3A_346, %scan3A_266 : i32
          %add3A_348 = arith.constant 3 : i32
          %add3A_349 = arith.addi %mul3A_347, %add3A_348 : i32
          %dma_start3A_350 = arith.constant 0 : i32
          %dma_start3A_351 = arith.constant 0 : i32
          %dma_start3A_352 = tpu.memref_slice %arg6[%add3A_349, %dma_start3A_350, %dma_start3A_351] : memref<40x8x64xf32, #tpu.memory_space<vmem>> -> memref<1x8x64xf32, #tpu.memory_space<vmem>>
          %dma_start3A_353 = tpu.memref_squeeze %dma_start3A_352 : memref<1x8x64xf32, #tpu.memory_space<vmem>> -> memref<8x64xf32, #tpu.memory_space<vmem>>
          %dma_start3A_354 = arith.constant 0 : i32
          %dma_start3A_355 = arith.constant 0 : i32
          %dma_start3A_356 = tpu.memref_slice %arg3[%shift_right_arithmetic3A_345, %dma_start3A_354, %dma_start3A_355] : memref<125000x8x64xf32, #tpu.memory_space<hbm>> -> memref<1x8x64xf32, #tpu.memory_space<hbm>>
          %dma_start3A_357 = tpu.memref_squeeze %dma_start3A_356 : memref<1x8x64xf32, #tpu.memory_space<hbm>> -> memref<8x64xf32, #tpu.memory_space<hbm>>
          %dma_start3A_358 = arith.constant 0 : i32
          %dma_start3A_359 = arith.constant 0 : i32
          %dma_start3A_360 = tpu.memref_slice %arg6[%add3A_349, %dma_start3A_358, %dma_start3A_359] : memref<40x8x64xf32, #tpu.memory_space<vmem>> -> memref<1x8x64xf32, #tpu.memory_space<vmem>>
          %dma_start3A_361 = tpu.memref_squeeze %dma_start3A_360 : memref<1x8x64xf32, #tpu.memory_space<vmem>> -> memref<8x64xf32, #tpu.memory_space<vmem>>
          %dma_start3A_362 = arith.constant 0 : i32
          %dma_start3A_363 = arith.constant 0 : i32
          %dma_start3A_364 = tpu.memref_slice %arg3[%shift_right_arithmetic3A_345, %dma_start3A_362, %dma_start3A_363] : memref<125000x8x64xf32, #tpu.memory_space<hbm>> -> memref<1x8x64xf32, #tpu.memory_space<hbm>>
          %dma_start3A_365 = tpu.memref_squeeze %dma_start3A_364 : memref<1x8x64xf32, #tpu.memory_space<hbm>> -> memref<8x64xf32, #tpu.memory_space<hbm>>
          tpu.enqueue_dma source(%dma_start3A_365 : memref<8x64xf32, #tpu.memory_space<hbm>>) target(%dma_start3A_361 : memref<8x64xf32, #tpu.memory_space<vmem>>) target_semaphore(%arg10 : memref<!tpu.dma_semaphore, #tpu.memory_space<semaphore_mem>>)
          %slice3A_366 = vector.extract_strided_slice %get3A_273 {offsets = [4], sizes = [1], strides = [1]} : vector<16xi32> to vector<1xi32>
          %squeeze3A_367 = vector.extract %slice3A_366[0] : i32 from vector<1xi32>
          %shift_right_arithmetic3A_368 = arith.constant 3 : i32
          %shift_right_arithmetic3A_369 = arith.shrsi %squeeze3A_367, %shift_right_arithmetic3A_368 : i32
          %mul3A_370 = arith.constant 5 : i32
          %mul3A_371 = arith.muli %mul3A_370, %scan3A_266 : i32
          %add3A_372 = arith.constant 4 : i32
          %add3A_373 = arith.addi %mul3A_371, %add3A_372 : i32
          %dma_start3A_374 = arith.constant 0 : i32
          %dma_start3A_375 = arith.constant 0 : i32
          %dma_start3A_376 = tpu.memref_slice %arg6[%add3A_373, %dma_start3A_374, %dma_start3A_375] : memref<40x8x64xf32, #tpu.memory_space<vmem>> -> memref<1x8x64xf32, #tpu.memory_space<vmem>>
          %dma_start3A_377 = tpu.memref_squeeze %dma_start3A_376 : memref<1x8x64xf32, #tpu.memory_space<vmem>> -> memref<8x64xf32, #tpu.memory_space<vmem>>
          %dma_start3A_378 = arith.constant 0 : i32
          %dma_start3A_379 = arith.constant 0 : i32
          %dma_start3A_380 = tpu.memref_slice %arg3[%shift_right_arithmetic3A_369, %dma_start3A_378, %dma_start3A_379] : memref<125000x8x64xf32, #tpu.memory_space<hbm>> -> memref<1x8x64xf32, #tpu.memory_space<hbm>>
          %dma_start3A_381 = tpu.memref_squeeze %dma_start3A_380 : memref<1x8x64xf32, #tpu.memory_space<hbm>> -> memref<8x64xf32, #tpu.memory_space<hbm>>
          %dma_start3A_382 = arith.constant 0 : i32
          %dma_start3A_383 = arith.constant 0 : i32
          %dma_start3A_384 = tpu.memref_slice %arg6[%add3A_373, %dma_start3A_382, %dma_start3A_383] : memref<40x8x64xf32, #tpu.memory_space<vmem>> -> memref<1x8x64xf32, #tpu.memory_space<vmem>>
          %dma_start3A_385 = tpu.memref_squeeze %dma_start3A_384 : memref<1x8x64xf32, #tpu.memory_space<vmem>> -> memref<8x64xf32, #tpu.memory_space<vmem>>
          %dma_start3A_386 = arith.constant 0 : i32
          %dma_start3A_387 = arith.constant 0 : i32
          %dma_start3A_388 = tpu.memref_slice %arg3[%shift_right_arithmetic3A_369, %dma_start3A_386, %dma_start3A_387] : memref<125000x8x64xf32, #tpu.memory_space<hbm>> -> memref<1x8x64xf32, #tpu.memory_space<hbm>>
          %dma_start3A_389 = tpu.memref_squeeze %dma_start3A_388 : memref<1x8x64xf32, #tpu.memory_space<hbm>> -> memref<8x64xf32, #tpu.memory_space<hbm>>
          tpu.enqueue_dma source(%dma_start3A_389 : memref<8x64xf32, #tpu.memory_space<hbm>>) target(%dma_start3A_385 : memref<8x64xf32, #tpu.memory_space<vmem>>) target_semaphore(%arg10 : memref<!tpu.dma_semaphore, #tpu.memory_space<semaphore_mem>>)
        }
        %scan3A_265 = arith.constant 8 : i32
      } else {
      }
      %dma_wait3A_47 = arith.constant 0 : i32
      %dma_wait3A_48 = arith.constant 0 : i32
      %dma_wait3A_49 = arith.constant 0 : i32
      %dma_wait3A_50 = tpu.memref_slice %arg3[%dma_wait3A_47, %dma_wait3A_48, %dma_wait3A_49] : memref<125000x8x64xf32, #tpu.memory_space<hbm>> -> memref<1x8x64xf32, #tpu.memory_space<hbm>>
      %dma_wait3A_51 = tpu.memref_squeeze %dma_wait3A_50 : memref<1x8x64xf32, #tpu.memory_space<hbm>> -> memref<8x64xf32, #tpu.memory_space<hbm>>
      %dma_wait3A_52 = arith.constant 0 : i32
      %dma_wait3A_53 = arith.constant 0 : i32
      %dma_wait3A_54 = tpu.memref_slice %arg3[%dma_wait3A_47, %dma_wait3A_52, %dma_wait3A_53] : memref<125000x8x64xf32, #tpu.memory_space<hbm>> -> memref<1x8x64xf32, #tpu.memory_space<hbm>>
      %dma_wait3A_55 = tpu.memref_squeeze %dma_wait3A_54 : memref<1x8x64xf32, #tpu.memory_space<hbm>> -> memref<8x64xf32, #tpu.memory_space<hbm>>
      tpu.wait_dma2 semaphore(%arg11 : memref<!tpu.dma_semaphore, #tpu.memory_space<semaphore_mem>>) src(%dma_wait3A_55 : memref<8x64xf32, #tpu.memory_space<hbm>>) dst(%arg7 : memref<40x8x64xf32, #tpu.memory_space<vmem>>)
      %add3A_56 = arith.constant 1 : i32
      %add3A_57 = arith.addi %mul3A_18, %add3A_56 : i32
      %iota3A_58 = tpu.iota {dimensions = array<i32: 0>} : vector<16xi32>
      %eq3A_59 = arith.constant 15 : i32
      %eq3A_60 = vector.broadcast %eq3A_59 : i32 to vector<16xi32>
      %eq3A_61 = arith.cmpi eq, %iota3A_58, %eq3A_60 : vector<16xi32>
      %scan3A_62 = arith.constant 0 : i32
      %scan3A_63 = arith.constant 0 : i32
      %scan3A_64 = arith.constant 8 : i32
      %scan3A_65 = arith.addi %scan3A_63, %scan3A_64 : i32
      %scan3A_66 = arith.constant 1 : i32
      scf.for %scan3A_258 = %scan3A_63 to %scan3A_65 step %scan3A_66  : i32 {
        %mul3A_259 = arith.constant 40 : i32
        %mul3A_260 = arith.muli %add3A_57, %mul3A_259 : i32
        %mul3A_261 = arith.constant 5 : i32
        %mul3A_262 = arith.muli %mul3A_261, %scan3A_258 : i32
        %add3A_263 = arith.addi %mul3A_260, %mul3A_262 : i32
        %get3A_264 = arith.index_cast %add3A_263 : i32 to index
        %get3A_265 = tpu.vector_load %arg5[%get3A_264] {strides = array<i32>} : memref<2576xi32, #tpu.memory_space<vmem>>, vector<16xi32>,
        %add3A_266 = arith.constant 8 : i32
        %add3A_267 = arith.addi %scan3A_258, %add3A_266 : i32
        %broadcast_in_dim3A = vector.broadcast %add3A_267 : i32 to vector<16xi32>
        %slice3A = vector.extract_strided_slice %get3A_265 {offsets = [0], sizes = [1], strides = [1]} : vector<16xi32> to vector<1xi32>
        %squeeze3A = vector.extract %slice3A[0] : i32 from vector<1xi32>
        %and3A = arith.constant 7 : i32
        %and3A_268 = arith.andi %squeeze3A, %and3A : i32
        %slice3A_269 = vector.extract_strided_slice %get3A_265 {offsets = [1], sizes = [1], strides = [1]} : vector<16xi32> to vector<1xi32>
        %squeeze3A_270 = vector.extract %slice3A_269[0] : i32 from vector<1xi32>
        %and3A_271 = arith.constant 7 : i32
        %and3A_272 = arith.andi %squeeze3A_270, %and3A_271 : i32
        %mul3A_273 = arith.constant 5 : i32
        %mul3A_274 = arith.muli %mul3A_273, %scan3A_258 : i32
        %get3A_275 = arith.index_cast %mul3A_274 : i32 to index
        %get3A_276 = arith.index_cast %and3A_268 : i32 to index
        %get3A_277 = arith.constant 0 : index
        %get3A_278 = tpu.vector_load %arg7[%get3A_275, %get3A_276, %get3A_277] {strides = array<i32>} : memref<40x8x64xf32, #tpu.memory_space<vmem>>, vector<16xf32>,
        %mul3A_279 = arith.constant 5 : i32
        %mul3A_280 = arith.muli %mul3A_279, %scan3A_258 : i32
        %add3A_281 = arith.constant 1 : i32
        %add3A_282 = arith.addi %mul3A_280, %add3A_281 : i32
        %get3A_283 = arith.index_cast %add3A_282 : i32 to index
        %get3A_284 = arith.index_cast %and3A_272 : i32 to index
        %get3A_285 = arith.constant 0 : index
        %get3A_286 = tpu.vector_load %arg7[%get3A_283, %get3A_284, %get3A_285] {strides = array<i32>} : memref<40x8x64xf32, #tpu.memory_space<vmem>>, vector<16xf32>,
        %sub3A_287 = arith.subf %get3A_278, %get3A_286 : vector<16xf32>
        %mul3A_288 = arith.mulf %sub3A_287, %sub3A_287 : vector<16xf32>
        %mul3A_289 = arith.constant 5 : i32
        %mul3A_290 = arith.muli %mul3A_289, %scan3A_258 : i32
        %get3A_291 = arith.index_cast %mul3A_290 : i32 to index
        %get3A_292 = arith.index_cast %and3A_268 : i32 to index
        %get3A_293 = arith.constant 16 : index
        %get3A_294 = tpu.vector_load %arg7[%get3A_291, %get3A_292, %get3A_293] {strides = array<i32>} : memref<40x8x64xf32, #tpu.memory_space<vmem>>, vector<16xf32>,
        %mul3A_295 = arith.constant 5 : i32
        %mul3A_296 = arith.muli %mul3A_295, %scan3A_258 : i32
        %add3A_297 = arith.constant 1 : i32
        %add3A_298 = arith.addi %mul3A_296, %add3A_297 : i32
        %get3A_299 = arith.index_cast %add3A_298 : i32 to index
        %get3A_300 = arith.index_cast %and3A_272 : i32 to index
        %get3A_301 = arith.constant 16 : index
        %get3A_302 = tpu.vector_load %arg7[%get3A_299, %get3A_300, %get3A_301] {strides = array<i32>} : memref<40x8x64xf32, #tpu.memory_space<vmem>>, vector<16xf32>,
        %sub3A_303 = arith.subf %get3A_294, %get3A_302 : vector<16xf32>
        %mul3A_304 = arith.mulf %sub3A_303, %sub3A_303 : vector<16xf32>
        %add3A_305 = arith.addf %mul3A_288, %mul3A_304 : vector<16xf32>
        %mul3A_306 = arith.constant 5 : i32
        %mul3A_307 = arith.muli %mul3A_306, %scan3A_258 : i32
        %get3A_308 = arith.index_cast %mul3A_307 : i32 to index
        %get3A_309 = arith.index_cast %and3A_268 : i32 to index
        %get3A_310 = arith.constant 32 : index
        %get3A_311 = tpu.vector_load %arg7[%get3A_308, %get3A_309, %get3A_310] {strides = array<i32>} : memref<40x8x64xf32, #tpu.memory_space<vmem>>, vector<16xf32>,
        %mul3A_312 = arith.constant 5 : i32
        %mul3A_313 = arith.muli %mul3A_312, %scan3A_258 : i32
        %add3A_314 = arith.constant 1 : i32
        %add3A_315 = arith.addi %mul3A_313, %add3A_314 : i32
        %get3A_316 = arith.index_cast %add3A_315 : i32 to index
        %get3A_317 = arith.index_cast %and3A_272 : i32 to index
        %get3A_318 = arith.constant 32 : index
        %get3A_319 = tpu.vector_load %arg7[%get3A_316, %get3A_317, %get3A_318] {strides = array<i32>} : memref<40x8x64xf32, #tpu.memory_space<vmem>>, vector<16xf32>,
        %sub3A_320 = arith.subf %get3A_311, %get3A_319 : vector<16xf32>
        %mul3A_321 = arith.mulf %sub3A_320, %sub3A_320 : vector<16xf32>
        %add3A_322 = arith.addf %add3A_305, %mul3A_321 : vector<16xf32>
        %mul3A_323 = arith.constant 5 : i32
        %mul3A_324 = arith.muli %mul3A_323, %scan3A_258 : i32
        %get3A_325 = arith.index_cast %mul3A_324 : i32 to index
        %get3A_326 = arith.index_cast %and3A_268 : i32 to index
        %get3A_327 = arith.constant 48 : index
        %get3A_328 = tpu.vector_load %arg7[%get3A_325, %get3A_326, %get3A_327] {strides = array<i32>} : memref<40x8x64xf32, #tpu.memory_space<vmem>>, vector<16xf32>,
        %mul3A_329 = arith.constant 5 : i32
        %mul3A_330 = arith.muli %mul3A_329, %scan3A_258 : i32
        %add3A_331 = arith.constant 1 : i32
        %add3A_332 = arith.addi %mul3A_330, %add3A_331 : i32
        %get3A_333 = arith.index_cast %add3A_332 : i32 to index
        %get3A_334 = arith.index_cast %and3A_272 : i32 to index
        %get3A_335 = arith.constant 48 : index
        %get3A_336 = tpu.vector_load %arg7[%get3A_333, %get3A_334, %get3A_335] {strides = array<i32>} : memref<40x8x64xf32, #tpu.memory_space<vmem>>, vector<16xf32>,
        %sub3A_337 = arith.subf %get3A_328, %get3A_336 : vector<16xf32>
        %mul3A_338 = arith.mulf %sub3A_337, %sub3A_337 : vector<16xf32>
        %add3A_339 = arith.addf %add3A_322, %mul3A_338 : vector<16xf32>
        %cumsum3A = arith.constant true
        %cumsum3A_340 = vector.broadcast %cumsum3A : i1 to vector<16xi1>
        %cumsum3A_341 = tpu.scan <sum>, %add3A_339 masked %cumsum3A_340 : vector<16xf32>, vector<16xi1> -> vector<16xf32>
        %add3A_342 = arith.constant 0 : i32
        %add3A_343 = vector.broadcast %add3A_342 : i32 to vector<16xi32>
        %add3A_344 = arith.addi %broadcast_in_dim3A, %add3A_343 : vector<16xi32>
        tpu.vector_store_idx %arg8[%add3A_344], %cumsum3A_341 masked %eq3A_61 : memref<112xf32, #tpu.memory_space<vmem>>[vector<16xi32>], vector<16xf32>, vector<16xi1>
        %slice3A_345 = vector.extract_strided_slice %get3A_265 {offsets = [2], sizes = [1], strides = [1]} : vector<16xi32> to vector<1xi32>
        %squeeze3A_346 = vector.extract %slice3A_345[0] : i32 from vector<1xi32>
        %and3A_347 = arith.constant 7 : i32
        %and3A_348 = arith.andi %squeeze3A_346, %and3A_347 : i32
        %mul3A_349 = arith.constant 5 : i32
        %mul3A_350 = arith.muli %mul3A_349, %scan3A_258 : i32
        %add3A_351 = arith.constant 2 : i32
        %add3A_352 = arith.addi %mul3A_350, %add3A_351 : i32
        %add3A_353 = arith.constant 0 : i32
        %add3A_354 = arith.addi %add3A_352, %add3A_353 : i32
        %get3A_355 = arith.index_cast %add3A_354 : i32 to index
        %get3A_356 = arith.index_cast %and3A_348 : i32 to index
        %get3A_357 = arith.constant 0 : index
        %get3A_358 = tpu.vector_load %arg7[%get3A_355, %get3A_356, %get3A_357] {strides = array<i32>} : memref<40x8x64xf32, #tpu.memory_space<vmem>>, vector<16xf32>,
        %mul3A_359 = arith.mulf %sub3A_287, %get3A_358 : vector<16xf32>
        %mul3A_360 = arith.mulf %get3A_358, %get3A_358 : vector<16xf32>
        %mul3A_361 = arith.constant 5 : i32
        %mul3A_362 = arith.muli %mul3A_361, %scan3A_258 : i32
        %add3A_363 = arith.constant 2 : i32
        %add3A_364 = arith.addi %mul3A_362, %add3A_363 : i32
        %add3A_365 = arith.constant 0 : i32
        %add3A_366 = arith.addi %add3A_364, %add3A_365 : i32
        %get3A_367 = arith.index_cast %add3A_366 : i32 to index
        %get3A_368 = arith.index_cast %and3A_348 : i32 to index
        %get3A_369 = arith.constant 16 : index
        %get3A_370 = tpu.vector_load %arg7[%get3A_367, %get3A_368, %get3A_369] {strides = array<i32>} : memref<40x8x64xf32, #tpu.memory_space<vmem>>, vector<16xf32>,
        %mul3A_371 = arith.mulf %sub3A_303, %get3A_370 : vector<16xf32>
        %add3A_372 = arith.addf %mul3A_359, %mul3A_371 : vector<16xf32>
        %mul3A_373 = arith.mulf %get3A_370, %get3A_370 : vector<16xf32>
        %add3A_374 = arith.addf %mul3A_360, %mul3A_373 : vector<16xf32>
        %mul3A_375 = arith.constant 5 : i32
        %mul3A_376 = arith.muli %mul3A_375, %scan3A_258 : i32
        %add3A_377 = arith.constant 2 : i32
        %add3A_378 = arith.addi %mul3A_376, %add3A_377 : i32
        %add3A_379 = arith.constant 0 : i32
        %add3A_380 = arith.addi %add3A_378, %add3A_379 : i32
        %get3A_381 = arith.index_cast %add3A_380 : i32 to index
        %get3A_382 = arith.index_cast %and3A_348 : i32 to index
        %get3A_383 = arith.constant 32 : index
        %get3A_384 = tpu.vector_load %arg7[%get3A_381, %get3A_382, %get3A_383] {strides = array<i32>} : memref<40x8x64xf32, #tpu.memory_space<vmem>>, vector<16xf32>,
        %mul3A_385 = arith.mulf %sub3A_320, %get3A_384 : vector<16xf32>
        %add3A_386 = arith.addf %add3A_372, %mul3A_385 : vector<16xf32>
        %mul3A_387 = arith.mulf %get3A_384, %get3A_384 : vector<16xf32>
        %add3A_388 = arith.addf %add3A_374, %mul3A_387 : vector<16xf32>
        %mul3A_389 = arith.constant 5 : i32
        %mul3A_390 = arith.muli %mul3A_389, %scan3A_258 : i32
        %add3A_391 = arith.constant 2 : i32
        %add3A_392 = arith.addi %mul3A_390, %add3A_391 : i32
        %add3A_393 = arith.constant 0 : i32
        %add3A_394 = arith.addi %add3A_392, %add3A_393 : i32
        %get3A_395 = arith.index_cast %add3A_394 : i32 to index
        %get3A_396 = arith.index_cast %and3A_348 : i32 to index
        %get3A_397 = arith.constant 48 : index
        %get3A_398 = tpu.vector_load %arg7[%get3A_395, %get3A_396, %get3A_397] {strides = array<i32>} : memref<40x8x64xf32, #tpu.memory_space<vmem>>, vector<16xf32>,
        %mul3A_399 = arith.mulf %sub3A_337, %get3A_398 : vector<16xf32>
        %add3A_400 = arith.addf %add3A_386, %mul3A_399 : vector<16xf32>
        %mul3A_401 = arith.mulf %get3A_398, %get3A_398 : vector<16xf32>
        %add3A_402 = arith.addf %add3A_388, %mul3A_401 : vector<16xf32>
        %cumsum3A_403 = arith.constant true
        %cumsum3A_404 = vector.broadcast %cumsum3A_403 : i1 to vector<16xi1>
        %cumsum3A_405 = tpu.scan <sum>, %add3A_400 masked %cumsum3A_404 : vector<16xf32>, vector<16xi1> -> vector<16xf32>
        %add3A_406 = arith.constant 16 : i32
        %add3A_407 = vector.broadcast %add3A_406 : i32 to vector<16xi32>
        %add3A_408 = arith.addi %broadcast_in_dim3A, %add3A_407 : vector<16xi32>
        tpu.vector_store_idx %arg8[%add3A_408], %cumsum3A_405 masked %eq3A_61 : memref<112xf32, #tpu.memory_space<vmem>>[vector<16xi32>], vector<16xf32>, vector<16xi1>
        %cumsum3A_409 = arith.constant true
        %cumsum3A_410 = vector.broadcast %cumsum3A_409 : i1 to vector<16xi1>
        %cumsum3A_411 = tpu.scan <sum>, %add3A_402 masked %cumsum3A_410 : vector<16xf32>, vector<16xi1> -> vector<16xf32>
        %add3A_412 = arith.constant 64 : i32
        %add3A_413 = vector.broadcast %add3A_412 : i32 to vector<16xi32>
        %add3A_414 = arith.addi %broadcast_in_dim3A, %add3A_413 : vector<16xi32>
        tpu.vector_store_idx %arg8[%add3A_414], %cumsum3A_411 masked %eq3A_61 : memref<112xf32, #tpu.memory_space<vmem>>[vector<16xi32>], vector<16xf32>, vector<16xi1>
        %slice3A_415 = vector.extract_strided_slice %get3A_265 {offsets = [3], sizes = [1], strides = [1]} : vector<16xi32> to vector<1xi32>
        %squeeze3A_416 = vector.extract %slice3A_415[0] : i32 from vector<1xi32>
        %and3A_417 = arith.constant 7 : i32
        %and3A_418 = arith.andi %squeeze3A_416, %and3A_417 : i32
        %mul3A_419 = arith.constant 5 : i32
        %mul3A_420 = arith.muli %mul3A_419, %scan3A_258 : i32
        %add3A_421 = arith.constant 2 : i32
        %add3A_422 = arith.addi %mul3A_420, %add3A_421 : i32
        %add3A_423 = arith.constant 1 : i32
        %add3A_424 = arith.addi %add3A_422, %add3A_423 : i32
        %get3A_425 = arith.index_cast %add3A_424 : i32 to index
        %get3A_426 = arith.index_cast %and3A_418 : i32 to index
        %get3A_427 = arith.constant 0 : index
        %get3A_428 = tpu.vector_load %arg7[%get3A_425, %get3A_426, %get3A_427] {strides = array<i32>} : memref<40x8x64xf32, #tpu.memory_space<vmem>>, vector<16xf32>,
        %mul3A_429 = arith.mulf %sub3A_287, %get3A_428 : vector<16xf32>
        %mul3A_430 = arith.mulf %get3A_428, %get3A_428 : vector<16xf32>
        %mul3A_431 = arith.constant 5 : i32
        %mul3A_432 = arith.muli %mul3A_431, %scan3A_258 : i32
        %add3A_433 = arith.constant 2 : i32
        %add3A_434 = arith.addi %mul3A_432, %add3A_433 : i32
        %add3A_435 = arith.constant 1 : i32
        %add3A_436 = arith.addi %add3A_434, %add3A_435 : i32
        %get3A_437 = arith.index_cast %add3A_436 : i32 to index
        %get3A_438 = arith.index_cast %and3A_418 : i32 to index
        %get3A_439 = arith.constant 16 : index
        %get3A_440 = tpu.vector_load %arg7[%get3A_437, %get3A_438, %get3A_439] {strides = array<i32>} : memref<40x8x64xf32, #tpu.memory_space<vmem>>, vector<16xf32>,
        %mul3A_441 = arith.mulf %sub3A_303, %get3A_440 : vector<16xf32>
        %add3A_442 = arith.addf %mul3A_429, %mul3A_441 : vector<16xf32>
        %mul3A_443 = arith.mulf %get3A_440, %get3A_440 : vector<16xf32>
        %add3A_444 = arith.addf %mul3A_430, %mul3A_443 : vector<16xf32>
        %mul3A_445 = arith.constant 5 : i32
        %mul3A_446 = arith.muli %mul3A_445, %scan3A_258 : i32
        %add3A_447 = arith.constant 2 : i32
        %add3A_448 = arith.addi %mul3A_446, %add3A_447 : i32
        %add3A_449 = arith.constant 1 : i32
        %add3A_450 = arith.addi %add3A_448, %add3A_449 : i32
        %get3A_451 = arith.index_cast %add3A_450 : i32 to index
        %get3A_452 = arith.index_cast %and3A_418 : i32 to index
        %get3A_453 = arith.constant 32 : index
        %get3A_454 = tpu.vector_load %arg7[%get3A_451, %get3A_452, %get3A_453] {strides = array<i32>} : memref<40x8x64xf32, #tpu.memory_space<vmem>>, vector<16xf32>,
        %mul3A_455 = arith.mulf %sub3A_320, %get3A_454 : vector<16xf32>
        %add3A_456 = arith.addf %add3A_442, %mul3A_455 : vector<16xf32>
        %mul3A_457 = arith.mulf %get3A_454, %get3A_454 : vector<16xf32>
        %add3A_458 = arith.addf %add3A_444, %mul3A_457 : vector<16xf32>
        %mul3A_459 = arith.constant 5 : i32
        %mul3A_460 = arith.muli %mul3A_459, %scan3A_258 : i32
        %add3A_461 = arith.constant 2 : i32
        %add3A_462 = arith.addi %mul3A_460, %add3A_461 : i32
        %add3A_463 = arith.constant 1 : i32
        %add3A_464 = arith.addi %add3A_462, %add3A_463 : i32
        %get3A_465 = arith.index_cast %add3A_464 : i32 to index
        %get3A_466 = arith.index_cast %and3A_418 : i32 to index
        %get3A_467 = arith.constant 48 : index
        %get3A_468 = tpu.vector_load %arg7[%get3A_465, %get3A_466, %get3A_467] {strides = array<i32>} : memref<40x8x64xf32, #tpu.memory_space<vmem>>, vector<16xf32>,
        %mul3A_469 = arith.mulf %sub3A_337, %get3A_468 : vector<16xf32>
        %add3A_470 = arith.addf %add3A_456, %mul3A_469 : vector<16xf32>
        %mul3A_471 = arith.mulf %get3A_468, %get3A_468 : vector<16xf32>
        %add3A_472 = arith.addf %add3A_458, %mul3A_471 : vector<16xf32>
        %cumsum3A_473 = arith.constant true
        %cumsum3A_474 = vector.broadcast %cumsum3A_473 : i1 to vector<16xi1>
        %cumsum3A_475 = tpu.scan <sum>, %add3A_470 masked %cumsum3A_474 : vector<16xf32>, vector<16xi1> -> vector<16xf32>
        %add3A_476 = arith.constant 32 : i32
        %add3A_477 = vector.broadcast %add3A_476 : i32 to vector<16xi32>
        %add3A_478 = arith.addi %broadcast_in_dim3A, %add3A_477 : vector<16xi32>
        tpu.vector_store_idx %arg8[%add3A_478], %cumsum3A_475 masked %eq3A_61 : memref<112xf32, #tpu.memory_space<vmem>>[vector<16xi32>], vector<16xf32>, vector<16xi1>
        %cumsum3A_479 = arith.constant true
        %cumsum3A_480 = vector.broadcast %cumsum3A_479 : i1 to vector<16xi1>
        %cumsum3A_481 = tpu.scan <sum>, %add3A_472 masked %cumsum3A_480 : vector<16xf32>, vector<16xi1> -> vector<16xf32>
        %add3A_482 = arith.constant 80 : i32
        %add3A_483 = vector.broadcast %add3A_482 : i32 to vector<16xi32>
        %add3A_484 = arith.addi %broadcast_in_dim3A, %add3A_483 : vector<16xi32>
        tpu.vector_store_idx %arg8[%add3A_484], %cumsum3A_481 masked %eq3A_61 : memref<112xf32, #tpu.memory_space<vmem>>[vector<16xi32>], vector<16xf32>, vector<16xi1>
        %slice3A_485 = vector.extract_strided_slice %get3A_265 {offsets = [4], sizes = [1], strides = [1]} : vector<16xi32> to vector<1xi32>
        %squeeze3A_486 = vector.extract %slice3A_485[0] : i32 from vector<1xi32>
        %and3A_487 = arith.constant 7 : i32
        %and3A_488 = arith.andi %squeeze3A_486, %and3A_487 : i32
        %mul3A_489 = arith.constant 5 : i32
        %mul3A_490 = arith.muli %mul3A_489, %scan3A_258 : i32
        %add3A_491 = arith.constant 2 : i32
        %add3A_492 = arith.addi %mul3A_490, %add3A_491 : i32
        %add3A_493 = arith.constant 2 : i32
        %add3A_494 = arith.addi %add3A_492, %add3A_493 : i32
        %get3A_495 = arith.index_cast %add3A_494 : i32 to index
        %get3A_496 = arith.index_cast %and3A_488 : i32 to index
        %get3A_497 = arith.constant 0 : index
        %get3A_498 = tpu.vector_load %arg7[%get3A_495, %get3A_496, %get3A_497] {strides = array<i32>} : memref<40x8x64xf32, #tpu.memory_space<vmem>>, vector<16xf32>,
        %mul3A_499 = arith.mulf %sub3A_287, %get3A_498 : vector<16xf32>
        %mul3A_500 = arith.mulf %get3A_498, %get3A_498 : vector<16xf32>
        %mul3A_501 = arith.constant 5 : i32
        %mul3A_502 = arith.muli %mul3A_501, %scan3A_258 : i32
        %add3A_503 = arith.constant 2 : i32
        %add3A_504 = arith.addi %mul3A_502, %add3A_503 : i32
        %add3A_505 = arith.constant 2 : i32
        %add3A_506 = arith.addi %add3A_504, %add3A_505 : i32
        %get3A_507 = arith.index_cast %add3A_506 : i32 to index
        %get3A_508 = arith.index_cast %and3A_488 : i32 to index
        %get3A_509 = arith.constant 16 : index
        %get3A_510 = tpu.vector_load %arg7[%get3A_507, %get3A_508, %get3A_509] {strides = array<i32>} : memref<40x8x64xf32, #tpu.memory_space<vmem>>, vector<16xf32>,
        %mul3A_511 = arith.mulf %sub3A_303, %get3A_510 : vector<16xf32>
        %add3A_512 = arith.addf %mul3A_499, %mul3A_511 : vector<16xf32>
        %mul3A_513 = arith.mulf %get3A_510, %get3A_510 : vector<16xf32>
        %add3A_514 = arith.addf %mul3A_500, %mul3A_513 : vector<16xf32>
        %mul3A_515 = arith.constant 5 : i32
        %mul3A_516 = arith.muli %mul3A_515, %scan3A_258 : i32
        %add3A_517 = arith.constant 2 : i32
        %add3A_518 = arith.addi %mul3A_516, %add3A_517 : i32
        %add3A_519 = arith.constant 2 : i32
        %add3A_520 = arith.addi %add3A_518, %add3A_519 : i32
        %get3A_521 = arith.index_cast %add3A_520 : i32 to index
        %get3A_522 = arith.index_cast %and3A_488 : i32 to index
        %get3A_523 = arith.constant 32 : index
        %get3A_524 = tpu.vector_load %arg7[%get3A_521, %get3A_522, %get3A_523] {strides = array<i32>} : memref<40x8x64xf32, #tpu.memory_space<vmem>>, vector<16xf32>,
        %mul3A_525 = arith.mulf %sub3A_320, %get3A_524 : vector<16xf32>
        %add3A_526 = arith.addf %add3A_512, %mul3A_525 : vector<16xf32>
        %mul3A_527 = arith.mulf %get3A_524, %get3A_524 : vector<16xf32>
        %add3A_528 = arith.addf %add3A_514, %mul3A_527 : vector<16xf32>
        %mul3A_529 = arith.constant 5 : i32
        %mul3A_530 = arith.muli %mul3A_529, %scan3A_258 : i32
        %add3A_531 = arith.constant 2 : i32
        %add3A_532 = arith.addi %mul3A_530, %add3A_531 : i32
        %add3A_533 = arith.constant 2 : i32
        %add3A_534 = arith.addi %add3A_532, %add3A_533 : i32
        %get3A_535 = arith.index_cast %add3A_534 : i32 to index
        %get3A_536 = arith.index_cast %and3A_488 : i32 to index
        %get3A_537 = arith.constant 48 : index
        %get3A_538 = tpu.vector_load %arg7[%get3A_535, %get3A_536, %get3A_537] {strides = array<i32>} : memref<40x8x64xf32, #tpu.memory_space<vmem>>, vector<16xf32>,
        %mul3A_539 = arith.mulf %sub3A_337, %get3A_538 : vector<16xf32>
        %add3A_540 = arith.addf %add3A_526, %mul3A_539 : vector<16xf32>
        %mul3A_541 = arith.mulf %get3A_538, %get3A_538 : vector<16xf32>
        %add3A_542 = arith.addf %add3A_528, %mul3A_541 : vector<16xf32>
        %cumsum3A_543 = arith.constant true
        %cumsum3A_544 = vector.broadcast %cumsum3A_543 : i1 to vector<16xi1>
        %cumsum3A_545 = tpu.scan <sum>, %add3A_540 masked %cumsum3A_544 : vector<16xf32>, vector<16xi1> -> vector<16xf32>
        %add3A_546 = arith.constant 48 : i32
        %add3A_547 = vector.broadcast %add3A_546 : i32 to vector<16xi32>
        %add3A_548 = arith.addi %broadcast_in_dim3A, %add3A_547 : vector<16xi32>
        tpu.vector_store_idx %arg8[%add3A_548], %cumsum3A_545 masked %eq3A_61 : memref<112xf32, #tpu.memory_space<vmem>>[vector<16xi32>], vector<16xf32>, vector<16xi1>
        %cumsum3A_549 = arith.constant true
        %cumsum3A_550 = vector.broadcast %cumsum3A_549 : i1 to vector<16xi1>
        %cumsum3A_551 = tpu.scan <sum>, %add3A_542 masked %cumsum3A_550 : vector<16xf32>, vector<16xi1> -> vector<16xf32>
        %add3A_552 = arith.constant 96 : i32
        %add3A_553 = vector.broadcast %add3A_552 : i32 to vector<16xi32>
        %add3A_554 = arith.addi %broadcast_in_dim3A, %add3A_553 : vector<16xi32>
        tpu.vector_store_idx %arg8[%add3A_554], %cumsum3A_551 masked %eq3A_61 : memref<112xf32, #tpu.memory_space<vmem>>[vector<16xi32>], vector<16xf32>, vector<16xi1>
      }
      %scan3A_67 = arith.constant 8 : i32
      %iota3A_68 = tpu.iota {dimensions = array<i32: 0>} : vector<16xi32>
      %get3A = arith.constant 0 : index
      %get3A_69 = tpu.vector_load %arg8[%get3A] {strides = array<i32>} : memref<112xf32, #tpu.memory_space<vmem>>, vector<16xf32>,
      %bitcast_convert_type3A = tpu.bitcast %get3A_69 : vector<16xf32> -> vector<16xi32>
      %shift_right_logical3A = arith.constant 1 : i32
      %shift_right_logical3A_70 = vector.broadcast %shift_right_logical3A : i32 to vector<16xi32>
      %shift_right_logical3A_71 = arith.shrui %bitcast_convert_type3A, %shift_right_logical3A_70 : vector<16xi32>
      %sub3A = arith.constant 1597463007 : i32
      %sub3A_72 = vector.broadcast %sub3A : i32 to vector<16xi32>
      %sub3A_73 = arith.subi %sub3A_72, %shift_right_logical3A_71 : vector<16xi32>
      %bitcast_convert_type3A_74 = tpu.bitcast %sub3A_73 : vector<16xi32> -> vector<16xf32>
      %mul3A_75 = arith.constant 5.000000e-01 : f32
      %mul3A_76 = vector.broadcast %mul3A_75 : f32 to vector<16xf32>
      %mul3A_77 = arith.mulf %mul3A_76, %get3A_69 : vector<16xf32>
      %mul3A_78 = arith.mulf %mul3A_77, %bitcast_convert_type3A_74 : vector<16xf32>
      %mul3A_79 = arith.mulf %mul3A_78, %bitcast_convert_type3A_74 : vector<16xf32>
      %sub3A_80 = arith.constant 1.500000e+00 : f32
      %sub3A_81 = vector.broadcast %sub3A_80 : f32 to vector<16xf32>
      %sub3A_82 = arith.subf %sub3A_81, %mul3A_79 : vector<16xf32>
      %mul3A_83 = arith.mulf %bitcast_convert_type3A_74, %sub3A_82 : vector<16xf32>
      %mul3A_84 = arith.constant 5.000000e-01 : f32
      %mul3A_85 = vector.broadcast %mul3A_84 : f32 to vector<16xf32>
      %mul3A_86 = arith.mulf %mul3A_85, %get3A_69 : vector<16xf32>
      %mul3A_87 = arith.mulf %mul3A_86, %mul3A_83 : vector<16xf32>
      %mul3A_88 = arith.mulf %mul3A_87, %mul3A_83 : vector<16xf32>
      %sub3A_89 = arith.constant 1.500000e+00 : f32
      %sub3A_90 = vector.broadcast %sub3A_89 : f32 to vector<16xf32>
      %sub3A_91 = arith.subf %sub3A_90, %mul3A_88 : vector<16xf32>
      %mul3A_92 = arith.mulf %mul3A_83, %sub3A_91 : vector<16xf32>
      %mul3A_93 = arith.constant 5.000000e-01 : f32
      %mul3A_94 = vector.broadcast %mul3A_93 : f32 to vector<16xf32>
      %mul3A_95 = arith.mulf %mul3A_94, %get3A_69 : vector<16xf32>
      %mul3A_96 = arith.mulf %mul3A_95, %mul3A_92 : vector<16xf32>
      %mul3A_97 = arith.mulf %mul3A_96, %mul3A_92 : vector<16xf32>
      %sub3A_98 = arith.constant 1.500000e+00 : f32
      %sub3A_99 = vector.broadcast %sub3A_98 : f32 to vector<16xf32>
      %sub3A_100 = arith.subf %sub3A_99, %mul3A_97 : vector<16xf32>
      %mul3A_101 = arith.mulf %mul3A_92, %sub3A_100 : vector<16xf32>
      %mul3A_102 = arith.mulf %get3A_69, %mul3A_101 : vector<16xf32>
      %max3A = arith.constant 1.000000e-10 : f32
      %max3A_103 = vector.broadcast %max3A : f32 to vector<16xf32>
      %max3A_104 = arith.maximumf %mul3A_102, %max3A_103 : vector<16xf32>
      %mul3A_105 = arith.constant 3 : i32
      %mul3A_106 = vector.broadcast %mul3A_105 : i32 to vector<16xi32>
      %mul3A_107 = arith.muli %iota3A_68, %mul3A_106 : vector<16xi32>
      %get3A_108 = arith.constant 16 : index
      %get3A_109 = tpu.vector_load %arg8[%get3A_108] {strides = array<i32>} : memref<112xf32, #tpu.memory_space<vmem>>, vector<16xf32>,
      %get3A_110 = arith.constant 64 : index
      %get3A_111 = tpu.vector_load %arg8[%get3A_110] {strides = array<i32>} : memref<112xf32, #tpu.memory_space<vmem>>, vector<16xf32>,
      %bitcast_convert_type3A_112 = tpu.bitcast %get3A_111 : vector<16xf32> -> vector<16xi32>
      %shift_right_logical3A_113 = arith.constant 1 : i32
      %shift_right_logical3A_114 = vector.broadcast %shift_right_logical3A_113 : i32 to vector<16xi32>
      %shift_right_logical3A_115 = arith.shrui %bitcast_convert_type3A_112, %shift_right_logical3A_114 : vector<16xi32>
      %sub3A_116 = arith.constant 1597463007 : i32
      %sub3A_117 = vector.broadcast %sub3A_116 : i32 to vector<16xi32>
      %sub3A_118 = arith.subi %sub3A_117, %shift_right_logical3A_115 : vector<16xi32>
      %bitcast_convert_type3A_119 = tpu.bitcast %sub3A_118 : vector<16xi32> -> vector<16xf32>
      %mul3A_120 = arith.constant 5.000000e-01 : f32
      %mul3A_121 = vector.broadcast %mul3A_120 : f32 to vector<16xf32>
      %mul3A_122 = arith.mulf %mul3A_121, %get3A_111 : vector<16xf32>
      %mul3A_123 = arith.mulf %mul3A_122, %bitcast_convert_type3A_119 : vector<16xf32>
      %mul3A_124 = arith.mulf %mul3A_123, %bitcast_convert_type3A_119 : vector<16xf32>
      %sub3A_125 = arith.constant 1.500000e+00 : f32
      %sub3A_126 = vector.broadcast %sub3A_125 : f32 to vector<16xf32>
      %sub3A_127 = arith.subf %sub3A_126, %mul3A_124 : vector<16xf32>
      %mul3A_128 = arith.mulf %bitcast_convert_type3A_119, %sub3A_127 : vector<16xf32>
      %mul3A_129 = arith.constant 5.000000e-01 : f32
      %mul3A_130 = vector.broadcast %mul3A_129 : f32 to vector<16xf32>
      %mul3A_131 = arith.mulf %mul3A_130, %get3A_111 : vector<16xf32>
      %mul3A_132 = arith.mulf %mul3A_131, %mul3A_128 : vector<16xf32>
      %mul3A_133 = arith.mulf %mul3A_132, %mul3A_128 : vector<16xf32>
      %sub3A_134 = arith.constant 1.500000e+00 : f32
      %sub3A_135 = vector.broadcast %sub3A_134 : f32 to vector<16xf32>
      %sub3A_136 = arith.subf %sub3A_135, %mul3A_133 : vector<16xf32>
      %mul3A_137 = arith.mulf %mul3A_128, %sub3A_136 : vector<16xf32>
      %mul3A_138 = arith.constant 5.000000e-01 : f32
      %mul3A_139 = vector.broadcast %mul3A_138 : f32 to vector<16xf32>
      %mul3A_140 = arith.mulf %mul3A_139, %get3A_111 : vector<16xf32>
      %mul3A_141 = arith.mulf %mul3A_140, %mul3A_137 : vector<16xf32>
      %mul3A_142 = arith.mulf %mul3A_141, %mul3A_137 : vector<16xf32>
      %sub3A_143 = arith.constant 1.500000e+00 : f32
      %sub3A_144 = vector.broadcast %sub3A_143 : f32 to vector<16xf32>
      %sub3A_145 = arith.subf %sub3A_144, %mul3A_142 : vector<16xf32>
      %mul3A_146 = arith.mulf %mul3A_137, %sub3A_145 : vector<16xf32>
      %mul3A_147 = arith.mulf %get3A_111, %mul3A_146 : vector<16xf32>
      %max3A_148 = arith.constant 1.000000e-10 : f32
      %max3A_149 = vector.broadcast %max3A_148 : f32 to vector<16xf32>
      %max3A_150 = arith.maximumf %mul3A_147, %max3A_149 : vector<16xf32>
      %add3A_151 = arith.constant 0 : i32
      %add3A_152 = vector.broadcast %add3A_151 : i32 to vector<16xi32>
      %add3A_153 = arith.addi %mul3A_107, %add3A_152 : vector<16xi32>
      %mul3A_154 = arith.mulf %max3A_104, %max3A_150 : vector<16xf32>
      %div3A = arith.divf %get3A_109, %mul3A_154 : vector<16xf32>
      tpu.vector_store_idx %arg9[%add3A_153], %div3A : memref<48xf32, #tpu.memory_space<vmem>>[vector<16xi32>], vector<16xf32>,
      %get3A_155 = arith.constant 32 : index
      %get3A_156 = tpu.vector_load %arg8[%get3A_155] {strides = array<i32>} : memref<112xf32, #tpu.memory_space<vmem>>, vector<16xf32>,
      %get3A_157 = arith.constant 80 : index
      %get3A_158 = tpu.vector_load %arg8[%get3A_157] {strides = array<i32>} : memref<112xf32, #tpu.memory_space<vmem>>, vector<16xf32>,
      %bitcast_convert_type3A_159 = tpu.bitcast %get3A_158 : vector<16xf32> -> vector<16xi32>
      %shift_right_logical3A_160 = arith.constant 1 : i32
      %shift_right_logical3A_161 = vector.broadcast %shift_right_logical3A_160 : i32 to vector<16xi32>
      %shift_right_logical3A_162 = arith.shrui %bitcast_convert_type3A_159, %shift_right_logical3A_161 : vector<16xi32>
      %sub3A_163 = arith.constant 1597463007 : i32
      %sub3A_164 = vector.broadcast %sub3A_163 : i32 to vector<16xi32>
      %sub3A_165 = arith.subi %sub3A_164, %shift_right_logical3A_162 : vector<16xi32>
      %bitcast_convert_type3A_166 = tpu.bitcast %sub3A_165 : vector<16xi32> -> vector<16xf32>
      %mul3A_167 = arith.constant 5.000000e-01 : f32
      %mul3A_168 = vector.broadcast %mul3A_167 : f32 to vector<16xf32>
      %mul3A_169 = arith.mulf %mul3A_168, %get3A_158 : vector<16xf32>
      %mul3A_170 = arith.mulf %mul3A_169, %bitcast_convert_type3A_166 : vector<16xf32>
      %mul3A_171 = arith.mulf %mul3A_170, %bitcast_convert_type3A_166 : vector<16xf32>
      %sub3A_172 = arith.constant 1.500000e+00 : f32
      %sub3A_173 = vector.broadcast %sub3A_172 : f32 to vector<16xf32>
      %sub3A_174 = arith.subf %sub3A_173, %mul3A_171 : vector<16xf32>
      %mul3A_175 = arith.mulf %bitcast_convert_type3A_166, %sub3A_174 : vector<16xf32>
      %mul3A_176 = arith.constant 5.000000e-01 : f32
      %mul3A_177 = vector.broadcast %mul3A_176 : f32 to vector<16xf32>
      %mul3A_178 = arith.mulf %mul3A_177, %get3A_158 : vector<16xf32>
      %mul3A_179 = arith.mulf %mul3A_178, %mul3A_175 : vector<16xf32>
      %mul3A_180 = arith.mulf %mul3A_179, %mul3A_175 : vector<16xf32>
      %sub3A_181 = arith.constant 1.500000e+00 : f32
      %sub3A_182 = vector.broadcast %sub3A_181 : f32 to vector<16xf32>
      %sub3A_183 = arith.subf %sub3A_182, %mul3A_180 : vector<16xf32>
      %mul3A_184 = arith.mulf %mul3A_175, %sub3A_183 : vector<16xf32>
      %mul3A_185 = arith.constant 5.000000e-01 : f32
      %mul3A_186 = vector.broadcast %mul3A_185 : f32 to vector<16xf32>
      %mul3A_187 = arith.mulf %mul3A_186, %get3A_158 : vector<16xf32>
      %mul3A_188 = arith.mulf %mul3A_187, %mul3A_184 : vector<16xf32>
      %mul3A_189 = arith.mulf %mul3A_188, %mul3A_184 : vector<16xf32>
      %sub3A_190 = arith.constant 1.500000e+00 : f32
      %sub3A_191 = vector.broadcast %sub3A_190 : f32 to vector<16xf32>
      %sub3A_192 = arith.subf %sub3A_191, %mul3A_189 : vector<16xf32>
      %mul3A_193 = arith.mulf %mul3A_184, %sub3A_192 : vector<16xf32>
      %mul3A_194 = arith.mulf %get3A_158, %mul3A_193 : vector<16xf32>
      %max3A_195 = arith.constant 1.000000e-10 : f32
      %max3A_196 = vector.broadcast %max3A_195 : f32 to vector<16xf32>
      %max3A_197 = arith.maximumf %mul3A_194, %max3A_196 : vector<16xf32>
      %add3A_198 = arith.constant 1 : i32
      %add3A_199 = vector.broadcast %add3A_198 : i32 to vector<16xi32>
      %add3A_200 = arith.addi %mul3A_107, %add3A_199 : vector<16xi32>
      %mul3A_201 = arith.mulf %max3A_104, %max3A_197 : vector<16xf32>
      %div3A_202 = arith.divf %get3A_156, %mul3A_201 : vector<16xf32>
      tpu.vector_store_idx %arg9[%add3A_200], %div3A_202 : memref<48xf32, #tpu.memory_space<vmem>>[vector<16xi32>], vector<16xf32>,
      %get3A_203 = arith.constant 48 : index
      %get3A_204 = tpu.vector_load %arg8[%get3A_203] {strides = array<i32>} : memref<112xf32, #tpu.memory_space<vmem>>, vector<16xf32>,
      %get3A_205 = arith.constant 96 : index
      %get3A_206 = tpu.vector_load %arg8[%get3A_205] {strides = array<i32>} : memref<112xf32, #tpu.memory_space<vmem>>, vector<16xf32>,
      %bitcast_convert_type3A_207 = tpu.bitcast %get3A_206 : vector<16xf32> -> vector<16xi32>
      %shift_right_logical3A_208 = arith.constant 1 : i32
      %shift_right_logical3A_209 = vector.broadcast %shift_right_logical3A_208 : i32 to vector<16xi32>
      %shift_right_logical3A_210 = arith.shrui %bitcast_convert_type3A_207, %shift_right_logical3A_209 : vector<16xi32>
      %sub3A_211 = arith.constant 1597463007 : i32
      %sub3A_212 = vector.broadcast %sub3A_211 : i32 to vector<16xi32>
      %sub3A_213 = arith.subi %sub3A_212, %shift_right_logical3A_210 : vector<16xi32>
      %bitcast_convert_type3A_214 = tpu.bitcast %sub3A_213 : vector<16xi32> -> vector<16xf32>
      %mul3A_215 = arith.constant 5.000000e-01 : f32
      %mul3A_216 = vector.broadcast %mul3A_215 : f32 to vector<16xf32>
      %mul3A_217 = arith.mulf %mul3A_216, %get3A_206 : vector<16xf32>
      %mul3A_218 = arith.mulf %mul3A_217, %bitcast_convert_type3A_214 : vector<16xf32>
      %mul3A_219 = arith.mulf %mul3A_218, %bitcast_convert_type3A_214 : vector<16xf32>
      %sub3A_220 = arith.constant 1.500000e+00 : f32
      %sub3A_221 = vector.broadcast %sub3A_220 : f32 to vector<16xf32>
      %sub3A_222 = arith.subf %sub3A_221, %mul3A_219 : vector<16xf32>
      %mul3A_223 = arith.mulf %bitcast_convert_type3A_214, %sub3A_222 : vector<16xf32>
      %mul3A_224 = arith.constant 5.000000e-01 : f32
      %mul3A_225 = vector.broadcast %mul3A_224 : f32 to vector<16xf32>
      %mul3A_226 = arith.mulf %mul3A_225, %get3A_206 : vector<16xf32>
      %mul3A_227 = arith.mulf %mul3A_226, %mul3A_223 : vector<16xf32>
      %mul3A_228 = arith.mulf %mul3A_227, %mul3A_223 : vector<16xf32>
      %sub3A_229 = arith.constant 1.500000e+00 : f32
      %sub3A_230 = vector.broadcast %sub3A_229 : f32 to vector<16xf32>
      %sub3A_231 = arith.subf %sub3A_230, %mul3A_228 : vector<16xf32>
      %mul3A_232 = arith.mulf %mul3A_223, %sub3A_231 : vector<16xf32>
      %mul3A_233 = arith.constant 5.000000e-01 : f32
      %mul3A_234 = vector.broadcast %mul3A_233 : f32 to vector<16xf32>
      %mul3A_235 = arith.mulf %mul3A_234, %get3A_206 : vector<16xf32>
      %mul3A_236 = arith.mulf %mul3A_235, %mul3A_232 : vector<16xf32>
      %mul3A_237 = arith.mulf %mul3A_236, %mul3A_232 : vector<16xf32>
      %sub3A_238 = arith.constant 1.500000e+00 : f32
      %sub3A_239 = vector.broadcast %sub3A_238 : f32 to vector<16xf32>
      %sub3A_240 = arith.subf %sub3A_239, %mul3A_237 : vector<16xf32>
      %mul3A_241 = arith.mulf %mul3A_232, %sub3A_240 : vector<16xf32>
      %mul3A_242 = arith.mulf %get3A_206, %mul3A_241 : vector<16xf32>
      %max3A_243 = arith.constant 1.000000e-10 : f32
      %max3A_244 = vector.broadcast %max3A_243 : f32 to vector<16xf32>
      %max3A_245 = arith.maximumf %mul3A_242, %max3A_244 : vector<16xf32>
      %add3A_246 = arith.constant 2 : i32
      %add3A_247 = vector.broadcast %add3A_246 : i32 to vector<16xi32>
      %add3A_248 = arith.addi %mul3A_107, %add3A_247 : vector<16xi32>
      %mul3A_249 = arith.mulf %max3A_104, %max3A_245 : vector<16xf32>
      %div3A_250 = arith.divf %get3A_204, %mul3A_249 : vector<16xf32>
      tpu.vector_store_idx %arg9[%add3A_248], %div3A_250 : memref<48xf32, #tpu.memory_space<vmem>>[vector<16xi32>], vector<16xf32>,
      %mul3A_251 = arith.constant 2 : i32
      %mul3A_252 = arith.muli %scan3A_16, %mul3A_251 : i32
      %mul3A_253 = arith.constant 8 : i32
      %mul3A_254 = arith.muli %mul3A_252, %mul3A_253 : i32
      %add3A_255 = arith.addi %mul3A_2, %mul3A_254 : i32
      %mul3A_256 = arith.constant 3 : i32
      %mul3A_257 = arith.muli %add3A_255, %mul3A_256 : i32
      "tpu.region"() ({
        %run_scoped3A = tpu.sem_alloc : memref<!tpu.dma_semaphore, #tpu.memory_space<semaphore_mem>>
        %dma_start3A = tpu.memref_slice %arg4[%mul3A_257] : memref<49152xf32, #tpu.memory_space<hbm>> -> memref<48xf32, #tpu.memory_space<hbm>>
        %dma_start3A_258 = tpu.memref_slice %arg4[%mul3A_257] : memref<49152xf32, #tpu.memory_space<hbm>> -> memref<48xf32, #tpu.memory_space<hbm>>
        tpu.enqueue_dma source(%arg9 : memref<48xf32, #tpu.memory_space<vmem>>) target(%dma_start3A_258 : memref<48xf32, #tpu.memory_space<hbm>>) target_semaphore(%run_scoped3A : memref<!tpu.dma_semaphore, #tpu.memory_space<semaphore_mem>>)
        %dma_wait3A_259 = tpu.memref_slice %arg4[%mul3A_257] : memref<49152xf32, #tpu.memory_space<hbm>> -> memref<48xf32, #tpu.memory_space<hbm>>
        %dma_wait3A_260 = tpu.memref_slice %arg4[%mul3A_257] : memref<49152xf32, #tpu.memory_space<hbm>> -> memref<48xf32, #tpu.memory_space<hbm>>
        tpu.wait_dma2 semaphore(%run_scoped3A : memref<!tpu.dma_semaphore, #tpu.memory_space<semaphore_mem>>) src(%arg9 : memref<48xf32, #tpu.memory_space<vmem>>) dst(%dma_wait3A_260 : memref<48xf32, #tpu.memory_space<hbm>>)
        tpu.yield
      }) : () -> ()
    }
    %scan3A_15 = arith.constant 32 : i32
    return
  }
}

</mosaic_0001>

<sc_bundles>
// kernel: kernel.3.cloned.1.call-start
scs
__scs_entry_jumppad:
0x0: {  	(pc) =	sbr.rel $0x88, $3  }
0x1: {  	(tag) =	ssettag $0x0;
	lr =	simm.s32 $0x1  }
0x2: {  	[smem:$0x3F9F] =	sst lr;
	_ =	strace $0xD0000000  }
0x3: {  	_ = 	snop  }
0x4: {  	_ = 	snop  }
0x5: {  	_ = 	snop  }
0x6: {  	_ = 	snop  }
0x7: {  	_ = 	snop  }
__scs_overlays_trampoline_lowered:
0x8: {  	[smem:$0x3FAE] =	sst s0  }
0x9: {  	[smem:$0x3FAF] =	sst s1  }
0xa: {  	[smem:$0x3FB0] =	sst s2  }
0xb: {  	[smem:$0x3FB1] =	sst s3  }
0xc: {  	[smem:$0x3FB2] =	sst s4  }
0xd: {  	[smem:$0x3FB3] =	sst s5  }
0xe: {  	[smem:$0x3FB4] =	sst s6  }
0xf: {  	[smem:$0x3FB5] =	sst s7  }
0x10: {  	[smem:$0x3FB6] =	sst s8  }
0x11: {  	[smem:$0x3FB7] =	sst s9;
	s0 =	simm.s32 @!p0 $0x0  }
0x12: {  	s1 =	sld [smem:$0x3F9D];
	s0 =	simm.s32 @p0 $0x1  }
0x13: {  	[smem:$0x3FB8] =	sst s0;
	s0 =	simm.s32 @!p1 $0x0  }
0x14: {  	s2 =	sld [smem:$0x3F9C];
	s0 =	simm.s32 @p1 $0x1  }
0x15: {  	[smem:$0x3FB9] =	sst s0;
	s0 =	simm.s32 @!p2 $0x0  }
0x16: {  	s3 =	sld [smem:$0x3FDB];
	s0 =	simm.s32 @p2 $0x1  }
0x17: {  	s4 =	simm.s32 $0x1BF5;
	[smem:$0x3FBB] =	sst s0  }
0x18: {  	s0 =	sld [smem:$0x3F9E];
	_ =	swait.ge [sflag:s4], $0x0  }
0x19: {  	s7 =	sld [smem:$0x3F9F]  }
0x1a: {  	s8 =	sadd.s32 $0xFFFFE003, lr  }
0x1b: {  	s9 =	sadd.s32 $0xFFFFFEF7, lr;
	s5 =	simm.s32 $0xFFFFFFFF;
	p2 =	slt.u32 s8, $0xFFFFF086  }
0x1c: {  	p1 =	slt.u32 s9, $0xF7A;
	s5 =	simm.s32 @!p2 $0x0  }
0x1d: {  	s5 =	simm.s32 @p1 $0x1;
	p0 =	seq.s32 s7, s2  }
0x1e: {  	s7 =	smul.u32 @!p0 $0xF7A, s2;
	p2 =	seq.s32 @!p0 s5, $0x0  }
0x1f: {  	s9 =	smul.u32 $0xF7A, s1;
	s8 =	simm.s32 @!p0 $0x1BF5;
	p2 =	por !p2, p0  }
0x20: {  	[sflag:s8] =	ssyncset.s32 @!p0 $0xFFFFF086;
	s6 =	sadd.s32 @!p0 s3, s7;
	s7 =	simm.s32 @!p0 $0x108  }
0x21: {  	s3 =	sadd.s32 s3, s9;
	s6 =	sadd.s32 @!p0 $0x88, s6;
	s7 =	simm.s32 @p2 $0x1082  }
0x22: {  	[simem:s7], [sflag:s8] =	dma.local @!p0 [hbm:s6], $0xF7A  }
0x23: {  	s9 =	sor.u32 $0xD0000000, s2;
	s6 =	simm.s32 $0x108;
	_ =	swait.ge @!p0 [sflag:s8], $0x0  }
0x24: {  	s3 =	sadd.s32 $0x88, s3;
	s6 =	simm.s32 @!p1 $0x1082;
	[sflag:s4] =	ssyncset.s32 $0xFFFFF086  }
0x25: {  	[simem:s6], [sflag:s4] =	dma.local [hbm:s3], $0xF7A  }
0x26: {  	[smem:$0x3F9F] =	sst s1;
	(tag) =	ssettag s2;
	_ =	strace s9  }
0x27: {  	s1 =	sld [smem:$0x3FAF]  }
0x28: {  	s2 =	sld [smem:$0x3FB0]  }
0x29: {  	s4 =	sld [smem:$0x3FB2]  }
0x2a: {  	p0 =	seq.s32 s5, $0x0;
	s5 =	sld [smem:$0x3FB3]  }
0x2b: {  	s6 =	sld [smem:$0x3FB4]  }
0x2c: {  	s7 =	sld [smem:$0x3FB5]  }
0x2d: {  	s3 =	simm.s32 $0x108;
	s8 =	sld [smem:$0x3FB6]  }
0x2e: {  	s3 =	simm.s32 @!p0 $0x1082;
	s9 =	sld [smem:$0x3FB7]  }
0x2f: {  	lr =	sadd.s32 s0, s3;
	s0 =	sld [smem:$0x3FAE]  }
0x30: {  	s3 =	sld [smem:$0x3FB1]  }
0x31: {  	[smem:$0x3FBA] =	sst s10  }
0x32: {  	s10 =	sld [smem:$0x3FB8];
	_ =	sdelay $0x3  }
0x33: {  	p0 =	seq.s32 s10, $0x1;
	s10 =	sld [smem:$0x3FBA];
	_ =	sdelay $0x3  }
0x34: {  	[smem:$0x3FBA] =	sst s10  }
0x35: {  	s10 =	sld [smem:$0x3FB9];
	_ =	sdelay $0x3  }
0x36: {  	p1 =	seq.s32 s10, $0x1;
	s10 =	sld [smem:$0x3FBA];
	_ =	sdelay $0x3  }
0x37: {  	[smem:$0x3FBA] =	sst s10  }
0x38: {  	s10 =	sld [smem:$0x3FBB]  }
0x39: {  	_ = 	snop;
	(pc) =	sbr.ind lr, $3  }
0x3a: {  	_ = 	snop  }
0x3b: {  	_ = 	snop  }
0x3c: {  	p2 =	seq.s32 s10, $0x1;
	s10 =	sld [smem:$0x3FBA]  }
0x3d: {  	_ =	shalt  }
0x3e: {  	_ =	shalt  }
0x3f: {  	_ =	shalt  }
0x40: {  	_ =	shalt  }
0x41: {  	_ =	shalt  }
0x42: {  	_ =	shalt  }
0x43: {  	_ =	shalt  }
0x44: {  	_ =	shalt  }
0x45: {  	_ =	shalt  }
0x46: {  	_ =	shalt  }
0x47: {  	_ =	shalt  }
0x48: {  	_ =	shalt  }
0x49: {  	_ =	shalt  }
0x4a: {  	_ =	shalt  }
0x4b: {  	_ =	shalt  }
0x4c: {  	_ =	shalt  }
0x4d: {  	_ =	shalt  }
0x4e: {  	_ =	shalt  }
0x4f: {  	_ =	shalt  }
0x50: {  	_ =	shalt  }
0x51: {  	_ =	shalt  }
0x52: {  	_ =	shalt  }
0x53: {  	_ =	shalt  }
0x54: {  	_ =	shalt  }
0x55: {  	_ =	shalt  }
0x56: {  	_ =	shalt  }
0x57: {  	_ =	shalt  }
0x58: {  	_ =	shalt  }
0x59: {  	_ =	shalt  }
0x5a: {  	_ =	shalt  }
0x5b: {  	_ =	shalt  }
0x5c: {  	_ =	shalt  }
0x5d: {  	_ =	shalt  }
0x5e: {  	_ =	shalt  }
0x5f: {  	_ =	shalt  }
0x60: {  	_ =	shalt  }
0x61: {  	_ =	shalt  }
0x62: {  	_ =	shalt  }
0x63: {  	_ =	shalt  }
0x64: {  	_ =	shalt  }
0x65: {  	_ =	shalt  }
0x66: {  	_ =	shalt  }
0x67: {  	_ =	shalt  }
0x68: {  	_ =	shalt  }
0x69: {  	_ =	shalt  }
0x6a: {  	_ =	shalt  }
0x6b: {  	_ =	shalt  }
0x6c: {  	_ =	shalt  }
0x6d: {  	_ =	shalt  }
0x6e: {  	_ =	shalt  }
0x6f: {  	_ =	shalt  }
0x70: {  	_ =	shalt  }
0x71: {  	_ =	shalt  }
0x72: {  	_ =	shalt  }
0x73: {  	_ =	shalt  }
0x74: {  	_ =	shalt  }
0x75: {  	_ =	shalt  }
0x76: {  	_ =	shalt  }
0x77: {  	_ =	shalt  }
0x78: {  	_ =	shalt  }
0x79: {  	_ =	shalt  }
0x7a: {  	_ =	shalt  }
0x7b: {  	_ =	shalt  }
0x7c: {  	_ =	shalt  }
0x7d: {  	_ =	shalt  }
0x7e: {  	_ =	shalt  }
0x7f: {  	_ =	shalt  }
0x80: {  	_ =	shalt  }
0x81: {  	_ =	shalt  }
0x82: {  	_ =	shalt  }
0x83: {  	_ =	shalt  }
0x84: {  	_ =	shalt  }
0x85: {  	_ =	shalt  }
0x86: {  	_ =	shalt  }
0x87: {  	_ =	shalt  }
.Lfunc_end0:
.L_simem_size_0:
called_computation_lowered:
.L_overlay_start_0:
0x88: {  	s2 =	sld [smem:$0x3FD9]  }
0x89: {  	s3 =	sld [smem:$0x3FFE];
	_ =	sdelay $0x1  }
0x8a: {  	s1 =	srdreg.scid  }
0x8b: {  	s0 =	sand.u32 $0x1, s1  }
0x8c: {  	s17 =	sshll.u32 s0, $0xA;
	s2 =	sadd.s32 s3, s2  }
0x8d: {  	s2 =	sadd.s32 s2, s17  }
0x8e: {  	[smem:$0x3FC6] =	sst s2  }
0x8f: {  	_ = 	snop  }
0x90: {  	s2 =	sld [smem:$0x3FD0];
	(tm) =	ssettm $0x1  }
0x91: {  	s18 =	sld [smem:$0x3FFB];
	_ =	sdelay $0x3  }
0x92: {  	_ =	strace s18  }
0x93: {  	s3 =	sld [smem:$0x3FFC];
	_ =	sdelay $0x3  }
0x94: {  	_ =	strace s3  }
0x95: {  	s3 =	sld [smem:$0x3FFD];
	_ =	sdelay $0x3  }
0x96: {  	_ =	strace s3  }
0x97: {  	_ =	strace $0x8FFFFFFF  }
0x98: {  	s19 =	sld [smem:$0x3FDB];
	_ =	sdelay $0x1  }
0x99: {  	s4 =	simm.s32 $_scs_section_size  }
0x9a: {  	s5 =	simm.s32 $_size__tile_overlayer_lowered;
	s6 =	simm.s32 $_tile_overlayer_lowered  }
0x9b: {  	s22 =	simm.s32 $0x1BFF;
	s21 =	sshll.u32 s6, $0x1;
	s3 =	sadd.s32 s4, s19  }
0x9c: {  	s7 =	simm.s32 $0x0;
	s20 =	sshll.u32 s5, $0x1;
	s5 =	sadd.s32 s21, s3  }
0x9d: {  	[timem:s7], [sflag:s22] =	dma.local [hbm:s5], s20  }
0x9e: {  	_ =	swait.ge [sflag:s22], s20  }
0x9f: {  	s4 =	ssub.s32 $0x0, s20;
	[sflag:s22] =	ssyncset.done $0x0  }
0xa0: {  	[sflag:s22] =	ssyncadd.s32 s4;
	_ =	sdelay $0x1  }
0xa1: {  	s23 =	simm.s32 $0x1B8B  }
0xa2: {  	_ =	swait.ge [sflag:s23], $0x1  }
0xa3: {  	[sflag:s23] =	ssyncset.done $0x0  }
0xa4: {  	s25 =	simm.s32 $0x1B8E;
	s24 =	sld [smem:$0x3FFE];
	[sflag:s23] =	ssyncadd.s32 $0xFFFFFFFF  }
0xa5: {  	s26 =	simm.s32 $execute0_lowered;
	[smem:$0x3FD2] =	sst s25  }
0xa6: {  	s5 =	sshll.u32 s26, $0x1;
	_ =	strace $0x80000046;
	[dreg:$0x1] =	wrdreg $0xFFFFFFFF  }
0xa7: {  	s28 =	simm.s32 $_size_execute0_lowered;
	s3 =	sadd.s32 s3, s5;
	[dreg:$0x0] =	wrdreg $0x0  }
0xa8: {  	s5 =	sshll.u32 s28, $0x1;
	[dreg:$0x2] =	wrdreg s3  }
0xa9: {  	[dreg:$0x3] =	wrdreg s5  }
0xaa: {  	[dreg:$0x4] =	wrdreg $0xC0  }
0xab: {  	_ =	task [dreg:s7], $0x5FFFF  }
0xac: {  	[dreg:$0x1] =	wrdreg $0xFFFFFFFF  }
0xad: {  	[dreg:$0x0] =	wrdreg $0x60  }
0xae: {  	[dreg:$0x2] =	wrdreg s24  }
0xaf: {  	[dreg:$0x3] =	wrdreg s2  }
0xb0: {  	[dreg:$0x4] =	wrdreg $0x9  }
0xb1: {  	_ =	task.clear_ibuf [dreg:s7], $0x5FFFF;
	_ =	strace $0x90000046  }
0xb2: {  	s29 =	simm.s32 $0x9;
	_ =	strace $0x80000048  }
0xb3: {  	_ =	swait.ge [sflag:s29], $0x1  }
0xb4: {  	[sflag:s29] =	ssyncadd.s32 $0xFFFFFFFF  }
0xb5: {  	_ =	strace $0x90000048  }
0xb6: {  	_ =	sfence  }
0xb7: {  	s30 =	sld [smem:$0x0];
	_ =	sdelay $0x2  }
0xb8: {  	s31 =	sshll.u32 s1, $0xD;
	s1 =	sshrl.u32 s1, $0x2  }
0xb9: {  	s3 =	sand.u32 $0x4000, s31;
	s1 =	sadd.s32 s1, s30  }
0xba: {  	s0 =	sor.u32 s3, s0;
	s1 =	sshll.u32 s1, $0x11  }
0xbb: {  	s0 =	sor.u32 s1, s0  }
0xbc: {  	s0 =	sadd.s32 $0x8F2B, s0  }
0xbd: {  	[sflag:s0] =	ssyncadd.remote.s32 $0x1  }
0xbe: {  	_ =	sfence.sel $0xFFFF  }
0xbf: {  	[dreg:$0x0] =	wrdreg $0xFFFFFFFF;
	(pc) =	sbr.abs _section_cstart, $3  }
0xc0: {  	[dreg:$0x1] =	wrdreg $0xFFFFFFFF  }
0xc1: {  	_ =	task.clear_ibuf [dreg:s7], $0x2FFFF;
	_ =	strace $0x9FFFFFFF  }
0xc2: {  	(tm) =	ssettm $0x7FFFFFFF  }
0xc3: {  	_ =	shalt  }
tec
execute0_lowered:
.L_overlay_start_1:
0x0: {  	(tag) =	ssettag $0x1  }
0x1: {  	s4 =	rddreg [dreg:$0x0];
	s1 =	srdreg.scid  }
0x2: {  	s0 =	stileid.u32;
	s2 =	rddreg [dreg:$0x1];
	s3 =	simm.s32 $0x0  }
0x3: {  	s9 =	simm.s32 $0x1;
	s10 =	simm.s32 $0x14A80;
	s11 =	simm.s32 $0x2  }
0x4: {  	s12 =	simm.s32 $0x14B00;
	s5 =	sand.u32 $0x1, s1;
	s6 =	sshll.u32 s0, $0x1  }
0x5: {  	s13 =	simm.s32 $0x0;
	s6 =	sor.u32 s5, s6;
	s5 =	ssub.s32 $0x2, s5  }
0x6: {  	v0 =	vlaneseq.u32;
	[smem:$0x7FF] =	sst s3;
	s7 =	smul.u32 $0x140, s6;
	s8 =	sshrl.u32 s5, $0x1  }
0x7: {  	s1 =	rddreg [dreg:$0x2];
	v0 =	vmul.u32 $0x3, v0;
	_ =	strace $0x80000047;
	s8 =	ssub.s32 s5, s8  }
0x8: {  	s5 =	sshll.u32 s6, $0x9;
	s7 =	sadd.s32 s7, s4;
	s4 =	sadd.s32 $0x2C00, s4  }
0x9: {  	vm0 =	vcmask $0x3F3C;
	v1 =	vadd.s32 $0x1, v0;
	v2 =	vadd.s32 $0x2, v0;
	s6 =	sadd.s32 $0x400, s7;
	s7 =	smax.u32 s8, $0x1;
	s8 =	simm.s32 $0x3  }
.LBB2_1:
0xa: {  	[tilespmem:s3], [sflag:$0x3] =	stream.linear.gather [hbm4b:s6+s3], $0xA00, $0x38;
	[tilespmem:$0x14B80] =	vst v63  }
0xb: {  	_ =	swait.ge [sflag:s8], $0xA00  }
0xc: {  	[sflag:s8] =	ssyncset.done $0x0  }
0xd: {  	[sflag:s8] =	ssyncadd.s32 $0xFFFFF600  }
0xe: {  	v3 =	vld [tilespmem:s3+$0x0];
	_ =	sdelay $0x4  }
0xf: {  	v3 =	vshll.u32 v3, $0x4  }
0x10: {  	(v2sf) =	vpush v3, $0x1  }
0x11: {  	(v2sf) =	vpush v3, $0x0  }
0x12: {  	(v2sf) =	vpush v3, $0x2;
	_ =	sdelay $0x2  }
0x13: {  	(v2sf) =	vpush v3, $0x3;
	_ =	sdelay $0x1  }
0x14: {  	(v2sf) =	vpush v3, $0x4;
	_ =	sdelay $0x5  }
0x15: {  	s15 =	simm.s32 $0x5000  }
0x16: {  	s17 =	simm.s32 $0x0;
	s19 =	simm.s32 $0xA80;
	s18 =	simm.s32 $0xE80  }
0x17: {  	s16 =	simm.s32 $0x0;
	s14 =	simm.s32 $0x0;
	s20 =	spop (v2sf)  }
.LBB2_2:
0x18: {  	p0 =	sne.s32 s15, $0x23000;
	s16 =	sadd.s32 $0x5, s16;
	s21 =	spop (v2sf)  }
0x19: {  	s22 =	sadd.s32 $0x1A80, s17;
	s21 =	sand.u32 $0x1FFFFF80, s21;
	s23 =	spop (v2sf)  }
0x1a: {  	s20 =	sand.u32 $0x1FFFFF80, s20;
	s21 =	sadd.s32 s4, s21;
	s23 =	sand.u32 $0x1FFFFF80, s23  }
0x1b: {  	[tilespmem:s19], [sflag:$0x1] =	stream.linear.gather [hbm4b:s21+s14], $0x400, $0x38;
	[tilespmem:$0x14B80] =	vst v63  }
0x1c: {  	s19 =	sadd.s32 s4, s20;
	s20 =	sadd.s32 s4, s23;
	s21 =	spop (v2sf)  }
0x1d: {  	[tilespmem:s18], [sflag:$0x1] =	stream.linear.gather [hbm4b:s19+s14], $0x400, $0x38;
	[tilespmem:$0x14B80] =	vst v63  }
0x1e: {  	s18 =	sadd.s32 $0x1280, s17;
	s19 =	sand.u32 $0x1FFFFF80, s21;
	s21 =	spop (v2sf)  }
0x1f: {  	[tilespmem:s18], [sflag:$0x1] =	stream.linear.gather [hbm4b:s20+s14], $0x400, $0x38;
	[tilespmem:$0x14B80] =	vst v63  }
0x20: {  	s17 =	sadd.s32 $0x1680, s17;
	s18 =	sadd.s32 s4, s19;
	s19 =	sand.u32 $0x1FFFFF80, s21  }
0x21: {  	[tilespmem:s17], [sflag:$0x1] =	stream.linear.gather [hbm4b:s18+s14], $0x400, $0x38;
	[tilespmem:$0x14B80] =	vst v63  }
0x22: {  	s17 =	sadd.s32 s4, s19;
	s18 =	smov.u32 s15;
	s15 =	sadd.s32 $0x5000, s15  }
0x23: {  	[tilespmem:s22], [sflag:$0x1] =	stream.linear.gather [hbm4b:s17+s14], $0x400, $0x38;
	[tilespmem:$0x14B80] =	vst v63  }
0x24: {  	v3 =	vld [tilespmem:s16+$0x0];
	_ =	sdelay $0x4  }
0x25: {  	v3 =	vshll.u32 v3, $0x4  }
0x26: {  	(v2sf) =	vpush v3, $0x1  }
0x27: {  	(v2sf) =	vpush v3, $0x0  }
0x28: {  	(v2sf) =	vpush v3, $0x2;
	_ =	sdelay $0x2  }
0x29: {  	(v2sf) =	vpush v3, $0x3  }
0x2a: {  	s17 =	sshra.s32 s18, $0x2  }
0x2b: {  	(v2sf) =	vpush v3, $0x4  }
0x2c: {  	s19 =	sadd.s32 $0xA80, s17;
	s18 =	sadd.s32 $0xE80, s17;
	_ =	sdelay $0x2  }
.Ltmp0:
0x2d: {  	(pc) =	sbr.rel @p0 .LBB2_2-.Ltmp0, $2  }
0x2e: {  	_ =	sdelay $0x2  }
0x2f: {  	s14 =	simm.s32 $0x0;
	s20 =	spop (v2sf)  }
0x30: {  	s15 =	spop (v2sf);
	s20 =	sand.u32 $0x1FFFFF80, s20  }
0x31: {  	s23 =	sadd.s32 $0x1280, s17;
	s26 =	sadd.s32 $0x1680, s17;
	s15 =	sand.u32 $0x1FFFFF80, s15  }
0x32: {  	s30 =	sadd.s32 $0x1A80, s17;
	s16 =	spop (v2sf);
	s15 =	sadd.s32 s4, s15  }
0x33: {  	[tilespmem:s19], [sflag:$0x1] =	stream.linear.gather [hbm4b:s15+s14], $0x400, $0x38;
	[tilespmem:$0x14B80] =	vst v63  }
0x34: {  	s21 =	sadd.s32 s4, s20;
	s16 =	sand.u32 $0x1FFFFF80, s16;
	s22 =	spop (v2sf)  }
0x35: {  	[tilespmem:s18], [sflag:$0x1] =	stream.linear.gather [hbm4b:s21+s14], $0x400, $0x38;
	[tilespmem:$0x14B80] =	vst v63  }
0x36: {  	s16 =	sadd.s32 s4, s16;
	s24 =	sand.u32 $0x1FFFFF80, s22;
	s25 =	spop (v2sf)  }
0x37: {  	[tilespmem:s23], [sflag:$0x1] =	stream.linear.gather [hbm4b:s16+s14], $0x400, $0x38;
	[tilespmem:$0x14B80] =	vst v63  }
0x38: {  	s17 =	simm.s32 $0x0;
	s28 =	sadd.s32 s4, s24;
	s29 =	sand.u32 $0x1FFFFF80, s25  }
0x39: {  	[tilespmem:s26], [sflag:$0x1] =	stream.linear.gather [hbm4b:s28+s14], $0x400, $0x38;
	[tilespmem:$0x14B80] =	vst v63  }
0x3a: {  	s15 =	simm.s32 $0x28;
	s16 =	simm.s32 $0x50;
	s31 =	sadd.s32 s4, s29  }
0x3b: {  	[tilespmem:s30], [sflag:$0x1] =	stream.linear.gather [hbm4b:s31+s14], $0x400, $0x38;
	[tilespmem:$0x14B80] =	vst v63  }
.LBB2_4:
0x3c: {  	v3 =	vld [tilespmem:s15+$0x0];
	_ =	sdelay $0x4  }
0x3d: {  	v3 =	vshll.u32 v3, $0x4  }
0x3e: {  	(v2sf) =	vpush v3, $0x1  }
0x3f: {  	(v2sf) =	vpush v3, $0x0  }
0x40: {  	(v2sf) =	vpush v3, $0x2;
	_ =	sdelay $0x2  }
0x41: {  	(v2sf) =	vpush v3, $0x3;
	_ =	sdelay $0x1  }
0x42: {  	(v2sf) =	vpush v3, $0x4;
	_ =	sdelay $0x6  }
0x43: {  	s18 =	simm.s32 $0x5000;
	s20 =	simm.s32 $0x0;
	s22 =	simm.s32 $0xAA80  }
0x44: {  	s21 =	simm.s32 $0xAE80;
	s19 =	smov.u32 s15;
	s23 =	spop (v2sf)  }
.LBB2_5:
0x45: {  	p0 =	sne.s32 s18, $0x23000;
	s19 =	sadd.s32 $0x5, s19;
	s24 =	spop (v2sf)  }
0x46: {  	s25 =	sadd.s32 $0xBA80, s20;
	s24 =	sand.u32 $0x1FFFFF80, s24;
	s26 =	spop (v2sf)  }
0x47: {  	s23 =	sand.u32 $0x1FFFFF80, s23;
	s24 =	sadd.s32 s4, s24;
	s26 =	sand.u32 $0x1FFFFF80, s26  }
0x48: {  	[tilespmem:s22], [sflag:$0x2] =	stream.linear.gather [hbm4b:s24+s3], $0x400, $0x38;
	[tilespmem:$0x14B80] =	vst v63  }
0x49: {  	s22 =	sadd.s32 s4, s23;
	s23 =	sadd.s32 s4, s26;
	s24 =	spop (v2sf)  }
0x4a: {  	[tilespmem:s21], [sflag:$0x2] =	stream.linear.gather [hbm4b:s22+s3], $0x400, $0x38;
	[tilespmem:$0x14B80] =	vst v63  }
0x4b: {  	s21 =	sadd.s32 $0xB280, s20;
	s22 =	sand.u32 $0x1FFFFF80, s24;
	s24 =	spop (v2sf)  }
0x4c: {  	[tilespmem:s21], [sflag:$0x2] =	stream.linear.gather [hbm4b:s23+s3], $0x400, $0x38;
	[tilespmem:$0x14B80] =	vst v63  }
0x4d: {  	s20 =	sadd.s32 $0xB680, s20;
	s21 =	sadd.s32 s4, s22;
	s22 =	sand.u32 $0x1FFFFF80, s24  }
0x4e: {  	[tilespmem:s20], [sflag:$0x2] =	stream.linear.gather [hbm4b:s21+s3], $0x400, $0x38;
	[tilespmem:$0x14B80] =	vst v63  }
0x4f: {  	s20 =	sadd.s32 s4, s22;
	s21 =	smov.u32 s18;
	s18 =	sadd.s32 $0x5000, s18  }
0x50: {  	[tilespmem:s25], [sflag:$0x2] =	stream.linear.gather [hbm4b:s20+s3], $0x400, $0x38;
	[tilespmem:$0x14B80] =	vst v63  }
0x51: {  	v3 =	vld [tilespmem:s19+$0x0];
	_ =	sdelay $0x4  }
0x52: {  	v3 =	vshll.u32 v3, $0x4  }
0x53: {  	(v2sf) =	vpush v3, $0x1  }
0x54: {  	(v2sf) =	vpush v3, $0x0  }
0x55: {  	(v2sf) =	vpush v3, $0x2;
	_ =	sdelay $0x2  }
0x56: {  	(v2sf) =	vpush v3, $0x3  }
0x57: {  	s20 =	sshra.s32 s21, $0x2  }
0x58: {  	(v2sf) =	vpush v3, $0x4  }
0x59: {  	s22 =	sadd.s32 $0xAA80, s20;
	s21 =	sadd.s32 $0xAE80, s20;
	_ =	sdelay $0x2  }
.Ltmp1:
0x5a: {  	(pc) =	sbr.rel @p0 .LBB2_5-.Ltmp1, $2  }
0x5b: {  	_ =	sdelay $0x2  }
0x5c: {  	s23 =	spop (v2sf)  }
0x5d: {  	s18 =	spop (v2sf)  }
0x5e: {  	s23 =	sand.u32 $0x1FFFFF80, s23;
	s18 =	sand.u32 $0x1FFFFF80, s18  }
0x5f: {  	s19 =	spop (v2sf);
	s30 =	sadd.s32 s4, s23;
	s18 =	sadd.s32 s4, s18  }
0x60: {  	[tilespmem:s22], [sflag:$0x2] =	stream.linear.gather [hbm4b:s18+s3], $0x400, $0x38;
	[tilespmem:$0x14B80] =	vst v63  }
0x61: {  	s23 =	sadd.s32 $0xB280, s20;
	s19 =	sand.u32 $0x1FFFFF80, s19;
	s31 =	spop (v2sf)  }
0x62: {  	[tilespmem:s21], [sflag:$0x2] =	stream.linear.gather [hbm4b:s30+s3], $0x400, $0x38;
	[tilespmem:$0x14B80] =	vst v63  }
0x63: {  	s19 =	sadd.s32 s4, s19;
	s24 =	sand.u32 $0x1FFFFF80, s31;
	s25 =	spop (v2sf)  }
0x64: {  	[tilespmem:s23], [sflag:$0x2] =	stream.linear.gather [hbm4b:s19+s3], $0x400, $0x38;
	[tilespmem:$0x14B80] =	vst v63  }
0x65: {  	s26 =	sadd.s32 $0xB680, s20;
	s28 =	sadd.s32 s4, s24;
	s29 =	sand.u32 $0x1FFFFF80, s25  }
0x66: {  	[tilespmem:s26], [sflag:$0x2] =	stream.linear.gather [hbm4b:s28+s3], $0x400, $0x38;
	[tilespmem:$0x14B80] =	vst v63  }
0x67: {  	s30 =	sadd.s32 $0xBA80, s20;
	s31 =	sadd.s32 s4, s29  }
0x68: {  	[tilespmem:s30], [sflag:$0x2] =	stream.linear.gather [hbm4b:s31+s3], $0x400, $0x38;
	[tilespmem:$0x14B80] =	vst v63  }
0x69: {  	_ =	swait.ge [sflag:s9], $0xA000  }
0x6a: {  	s18 =	simm.s32 $0x0;
	[sflag:s9] =	ssyncset.done $0x0  }
0x6b: {  	s20 =	simm.s32 $0x0;
	s19 =	smov.u32 s14;
	[sflag:s9] =	ssyncadd.s32 $0xFFFF6000  }
.LBB2_7:
0x6c: {  	v3 =	vld [tilespmem:s19+$0x0];
	_ =	sdelay $0x4  }
0x6d: {  	(v2sf) =	vpush v3, $0x0;
	_ =	sdelay $0x1  }
0x6e: {  	(v2sf) =	vpush v3, $0x1;
	_ =	sdelay $0xc  }
0x6f: {  	s21 =	spop (v2sf)  }
0x70: {  	s21 =	sand.u32 $0x7, s21  }
0x71: {  	s28 =	sshra.s32 s18, $0x2;
	s22 =	spop (v2sf);
	s23 =	sshll.u32 s21, $0x7  }
0x72: {  	s22 =	sand.u32 $0x7, s22;
	s23 =	sadd.s32 s28, s23  }
0x73: {  	s22 =	sshll.u32 s22, $0x7;
	v4 =	vld [tilespmem:s23+$0xA80]  }
0x74: {  	s22 =	sadd.s32 s28, s22;
	v6 =	vld [tilespmem:s23+$0xA90]  }
0x75: {  	v5 =	vld [tilespmem:s22+$0xE80]  }
0x76: {  	v7 =	vld [tilespmem:s22+$0xE90]  }
0x77: {  	v8 =	vld [tilespmem:s23+$0xAA0]  }
0x78: {  	v9 =	vld [tilespmem:s22+$0xEA0]  }
0x79: {  	v10 =	vld [tilespmem:s23+$0xAB0]  }
0x7a: {  	v11 =	vld [tilespmem:s22+$0xEB0]  }
0x7b: {  	v4 =	vsub.f32 v4, v5;
	v32 =	vsub.f32 v6, v7;
	_ =	sdelay $0x1  }
0x7c: {  	v8 =	vsub.f32 v8, v9;
	v33 =	vmul.f32 v4, v4;
	v7 =	vmul.f32 v32, v32  }
0x7d: {  	(v2sf) =	vpush v3, $0x2  }
0x7e: {  	v35 =	vsub.f32 v10, v11;
	v34 =	vmul.f32 v8, v8;
	v6 =	vadd.f32 v7, v33;
	_ =	sdelay $0x1  }
0x7f: {  	v36 =	vmul.f32 v35, v35;
	v6 =	vadd.f32 v34, v6;
	_ =	sdelay $0x1  }
0x80: {  	v6 =	vadd.f32 v36, v6;
	_ =	sdelay $0x1  }
0x81: {  	(xrf2) =	vadd.scan.msk.f32 $0xffff, v6;
	_ =	sdelay $0x5  }
0x82: {  	v37 =	vmov s20;
	_ =	sdelay $0x1  }
0x83: {  	s29 =	spop (v2sf)  }
0x84: {  	s22 =	sand.u32 $0x7, s29  }
0x85: {  	s22 =	sshll.u32 s22, $0x7;
	v38, _, _ =	vpop (xrf2)  }
0x86: {  	s22 =	sadd.s32 s28, s22;
	[tilespmem:v37+s10+$0x0] =	vst.idx.msk vm0, v38  }
0x87: {  	v7 =	vld [tilespmem:s22+$0x1280]  }
0x88: {  	v39 =	vld [tilespmem:s22+$0x1290];
	_ =	sdelay $0x1  }
0x89: {  	v40 =	vld [tilespmem:s22+$0x12A0];
	_ =	sdelay $0x1  }
0x8a: {  	v12 =	vld [tilespmem:s22+$0x12B0]  }
0x8b: {  	v13 =	vmul.f32 v7, v4;
	v14 =	vmul.f32 v39, v32  }
0x8c: {  	v7 =	vmul.f32 v7, v7;
	v10 =	vmul.f32 v39, v39  }
0x8d: {  	(v2sf) =	vpush v3, $0x3;
	v41 =	vmul.f32 v40, v8;
	v13 =	vadd.f32 v14, v13  }
0x8e: {  	v42 =	vmul.f32 v40, v40;
	v7 =	vadd.f32 v10, v7  }
0x8f: {  	v44 =	vmul.f32 v12, v35;
	v43 =	vadd.f32 v41, v13  }
0x90: {  	v45 =	vmul.f32 v12, v12;
	v7 =	vadd.f32 v42, v7  }
0x91: {  	v11 =	vadd.f32 v44, v43  }
0x92: {  	v7 =	vadd.f32 v45, v7  }
0x93: {  	(xrf2) =	vadd.scan.msk.f32 $0xffff, v11  }
0x94: {  	(xrf2) =	vadd.scan.msk.f32 $0xffff, v7;
	_ =	sdelay $0x4  }
0x95: {  	v46 =	vor.u32 $0x10, v37  }
0x96: {  	v47 =	vor.u32 $0x40, v37;
	_ =	sdelay $0x1  }
0x97: {  	s30 =	spop (v2sf)  }
0x98: {  	s22 =	sand.u32 $0x7, s30;
	v11, _, _ =	vpop (xrf2)  }
0x99: {  	s22 =	sshll.u32 s22, $0x7;
	[tilespmem:v46+s10+$0x0] =	vst.idx.msk vm0, v11;
	v48, _, _ =	vpop (xrf2)  }
0x9a: {  	s22 =	sadd.s32 s28, s22;
	[tilespmem:v47+s10+$0x0] =	vst.idx.msk vm0, v48  }
0x9b: {  	v7 =	vld [tilespmem:s22+$0x1680]  }
0x9c: {  	v10 =	vld [tilespmem:s22+$0x1690];
	_ =	sdelay $0x1  }
0x9d: {  	v11 =	vld [tilespmem:s22+$0x16A0];
	_ =	sdelay $0x1  }
0x9e: {  	v49 =	vld [tilespmem:s22+$0x16B0]  }
0x9f: {  	v50 =	vmul.f32 v7, v4;
	v51 =	vmul.f32 v10, v32  }
0xa0: {  	v7 =	vmul.f32 v7, v7;
	v10 =	vmul.f32 v10, v10  }
0xa1: {  	(v2sf) =	vpush v3, $0x4;
	v3 =	vmul.f32 v11, v8;
	v13 =	vadd.f32 v51, v50  }
0xa2: {  	v52 =	vmul.f32 v11, v11;
	v7 =	vadd.f32 v10, v7  }
0xa3: {  	v53 =	vmul.f32 v49, v35;
	v3 =	vadd.f32 v3, v13  }
0xa4: {  	v54 =	vmul.f32 v49, v49;
	v7 =	vadd.f32 v52, v7  }
0xa5: {  	v3 =	vadd.f32 v53, v3  }
0xa6: {  	v7 =	vadd.f32 v54, v7  }
0xa7: {  	(xrf2) =	vadd.scan.msk.f32 $0xffff, v3  }
0xa8: {  	(xrf2) =	vadd.scan.msk.f32 $0xffff, v7;
	_ =	sdelay $0x4  }
0xa9: {  	v3 =	vor.u32 $0x20, v37  }
0xaa: {  	v55 =	vor.u32 $0x50, v37;
	_ =	sdelay $0x1  }
0xab: {  	s31 =	spop (v2sf)  }
0xac: {  	s22 =	sand.u32 $0x7, s31;
	v56, _, _ =	vpop (xrf2)  }
0xad: {  	s22 =	sshll.u32 s22, $0x7;
	[tilespmem:v3+s10+$0x0] =	vst.idx.msk vm0, v56;
	v3, _, _ =	vpop (xrf2)  }
0xae: {  	s21 =	sadd.s32 s28, s22;
	[tilespmem:v55+s10+$0x0] =	vst.idx.msk vm0, v3  }
0xaf: {  	v3 =	vld [tilespmem:s21+$0x1A80]  }
0xb0: {  	v7 =	vld [tilespmem:s21+$0x1A90];
	_ =	sdelay $0x1  }
0xb1: {  	v10 =	vld [tilespmem:s21+$0x1AA0];
	_ =	sdelay $0x1  }
0xb2: {  	v57 =	vld [tilespmem:s21+$0x1AB0]  }
0xb3: {  	v4 =	vmul.f32 v3, v4;
	v5 =	vmul.f32 v7, v32  }
0xb4: {  	v3 =	vmul.f32 v3, v3;
	v7 =	vmul.f32 v7, v7  }
0xb5: {  	v58 =	vmul.f32 v10, v8;
	v4 =	vadd.f32 v5, v4  }
0xb6: {  	v59 =	vmul.f32 v10, v10;
	v3 =	vadd.f32 v7, v3  }
0xb7: {  	v60 =	vmul.f32 v57, v35;
	v4 =	vadd.f32 v58, v4  }
0xb8: {  	v61 =	vmul.f32 v57, v57;
	v3 =	vadd.f32 v59, v3  }
0xb9: {  	v4 =	vadd.f32 v60, v4  }
0xba: {  	v3 =	vadd.f32 v61, v3  }
0xbb: {  	(xrf2) =	vadd.scan.msk.f32 $0xffff, v4  }
0xbc: {  	(xrf2) =	vadd.scan.msk.f32 $0xffff, v3;
	_ =	sdelay $0x4  }
0xbd: {  	v3 =	vor.u32 $0x30, v37  }
0xbe: {  	p0 =	sne.s32 s18, $0x23000;
	v62 =	vor.u32 $0x60, v37  }
.Ltmp2:
0xbf: {  	_ = 	snop;
	(pc) =	sbr.rel @p0 .LBB2_7-.Ltmp2, $4  }
0xc0: {  	_ = 	snop  }
0xc1: {  	v63, _, _ =	vpop (xrf2)  }
0xc2: {  	[tilespmem:v3+s10+$0x0] =	vst.idx.msk vm0, v63;
	v3, _, _ =	vpop (xrf2)  }
0xc3: {  	s20 =	sadd.s32 $0x1, s20;
	s19 =	sadd.s32 $0x5, s19;
	s18 =	sadd.s32 $0x5000, s18;
	[tilespmem:v62+s10+$0x0] =	vst.idx.msk vm0, v3  }
0xc4: {  	p0 =	seq.s32 s17, $0x1F  }
.Ltmp3:
0xc5: {  	_ = 	snop;
	(pc) =	sbr.rel @p0 .LBB2_12-.Ltmp3, $2  }
0xc6: {  	_ =	sdelay $0x2  }
0xc7: {  	s18 =	simm.s32 $0x0  }
0xc8: {  	v3 =	vld [tilespmem:s16+$0x0];
	_ =	sdelay $0x4  }
0xc9: {  	v3 =	vshll.u32 v3, $0x4  }
0xca: {  	(v2sf) =	vpush v3, $0x1  }
0xcb: {  	(v2sf) =	vpush v3, $0x0  }
0xcc: {  	(v2sf) =	vpush v3, $0x2;
	_ =	sdelay $0x2  }
0xcd: {  	(v2sf) =	vpush v3, $0x3;
	_ =	sdelay $0x1  }
0xce: {  	(v2sf) =	vpush v3, $0x4;
	_ =	sdelay $0x6  }
0xcf: {  	s19 =	simm.s32 $0x5000;
	s21 =	simm.s32 $0x0;
	s23 =	simm.s32 $0xA80  }
0xd0: {  	s22 =	simm.s32 $0xE80;
	s20 =	smov.u32 s16;
	s24 =	spop (v2sf)  }
.LBB2_10:
0xd1: {  	p0 =	sne.s32 s19, $0x23000;
	s20 =	sadd.s32 $0x5, s20;
	s25 =	spop (v2sf)  }
0xd2: {  	s26 =	sadd.s32 $0x1A80, s21;
	s25 =	sand.u32 $0x1FFFFF80, s25;
	s28 =	spop (v2sf)  }
0xd3: {  	s24 =	sand.u32 $0x1FFFFF80, s24;
	s25 =	sadd.s32 s4, s25;
	s28 =	sand.u32 $0x1FFFFF80, s28  }
0xd4: {  	[tilespmem:s23], [sflag:$0x1] =	stream.linear.gather [hbm4b:s25+s3], $0x400, $0x38;
	[tilespmem:$0x14B80] =	vst v63  }
0xd5: {  	s23 =	sadd.s32 s4, s24;
	s24 =	sadd.s32 s4, s28;
	s25 =	spop (v2sf)  }
0xd6: {  	[tilespmem:s22], [sflag:$0x1] =	stream.linear.gather [hbm4b:s23+s3], $0x400, $0x38;
	[tilespmem:$0x14B80] =	vst v63  }
0xd7: {  	s22 =	sadd.s32 $0x1280, s21;
	s23 =	sand.u32 $0x1FFFFF80, s25;
	s25 =	spop (v2sf)  }
0xd8: {  	[tilespmem:s22], [sflag:$0x1] =	stream.linear.gather [hbm4b:s24+s3], $0x400, $0x38;
	[tilespmem:$0x14B80] =	vst v63  }
0xd9: {  	s21 =	sadd.s32 $0x1680, s21;
	s22 =	sadd.s32 s4, s23;
	s23 =	sand.u32 $0x1FFFFF80, s25  }
0xda: {  	[tilespmem:s21], [sflag:$0x1] =	stream.linear.gather [hbm4b:s22+s3], $0x400, $0x38;
	[tilespmem:$0x14B80] =	vst v63  }
0xdb: {  	s21 =	sadd.s32 s4, s23;
	s22 =	smov.u32 s19;
	s19 =	sadd.s32 $0x5000, s19  }
0xdc: {  	[tilespmem:s26], [sflag:$0x1] =	stream.linear.gather [hbm4b:s21+s3], $0x400, $0x38;
	[tilespmem:$0x14B80] =	vst v63  }
0xdd: {  	v3 =	vld [tilespmem:s20+$0x0];
	_ =	sdelay $0x4  }
0xde: {  	v3 =	vshll.u32 v3, $0x4  }
0xdf: {  	(v2sf) =	vpush v3, $0x1  }
0xe0: {  	(v2sf) =	vpush v3, $0x0  }
0xe1: {  	(v2sf) =	vpush v3, $0x2;
	_ =	sdelay $0x2  }
0xe2: {  	(v2sf) =	vpush v3, $0x3  }
0xe3: {  	s21 =	sshra.s32 s22, $0x2  }
0xe4: {  	(v2sf) =	vpush v3, $0x4  }
0xe5: {  	s23 =	sadd.s32 $0xA80, s21;
	s22 =	sadd.s32 $0xE80, s21;
	_ =	sdelay $0x2  }
.Ltmp4:
0xe6: {  	(pc) =	sbr.rel @p0 .LBB2_10-.Ltmp4, $2  }
0xe7: {  	_ =	sdelay $0x2  }
0xe8: {  	s24 =	spop (v2sf)  }
0xe9: {  	s19 =	spop (v2sf)  }
0xea: {  	s19 =	sand.u32 $0x1FFFFF80, s19;
	s20 =	spop (v2sf)  }
0xeb: {  	s24 =	sand.u32 $0x1FFFFF80, s24;
	s19 =	sadd.s32 s4, s19;
	s20 =	sand.u32 $0x1FFFFF80, s20  }
0xec: {  	[tilespmem:s23], [sflag:$0x1] =	stream.linear.gather [hbm4b:s19+s3], $0x400, $0x38;
	[tilespmem:$0x14B80] =	vst v63  }
0xed: {  	s30 =	sadd.s32 s4, s24;
	s20 =	sadd.s32 s4, s20;
	s31 =	spop (v2sf)  }
0xee: {  	[tilespmem:s22], [sflag:$0x1] =	stream.linear.gather [hbm4b:s30+s3], $0x400, $0x38;
	[tilespmem:$0x14B80] =	vst v63  }
0xef: {  	s22 =	sadd.s32 $0x1280, s21;
	s24 =	sand.u32 $0x1FFFFF80, s31;
	s25 =	spop (v2sf)  }
0xf0: {  	[tilespmem:s22], [sflag:$0x1] =	stream.linear.gather [hbm4b:s20+s3], $0x400, $0x38;
	[tilespmem:$0x14B80] =	vst v63  }
0xf1: {  	s26 =	sadd.s32 $0x1680, s21;
	s28 =	sadd.s32 s4, s24;
	s29 =	sand.u32 $0x1FFFFF80, s25  }
0xf2: {  	[tilespmem:s26], [sflag:$0x1] =	stream.linear.gather [hbm4b:s28+s3], $0x400, $0x38;
	[tilespmem:$0x14B80] =	vst v63  }
0xf3: {  	s30 =	sadd.s32 $0x1A80, s21;
	s31 =	sadd.s32 s4, s29  }
0xf4: {  	[tilespmem:s30], [sflag:$0x1] =	stream.linear.gather [hbm4b:s31+s3], $0x400, $0x38;
	[tilespmem:$0x14B80] =	vst v63  }
.LBB2_12:
0xf5: {  	_ =	swait.ge [sflag:s11], $0xA000  }
0xf6: {  	[sflag:s11] =	ssyncset.done $0x0  }
0xf7: {  	s19 =	simm.s32 $0x8;
	s20 =	smov.u32 s15;
	[sflag:s11] =	ssyncadd.s32 $0xFFFF6000  }
.LBB2_13:
0xf8: {  	v3 =	vld [tilespmem:s20+$0x0];
	_ =	sdelay $0x4  }
0xf9: {  	(v2sf) =	vpush v3, $0x0;
	_ =	sdelay $0x1  }
0xfa: {  	(v2sf) =	vpush v3, $0x1;
	_ =	sdelay $0xc  }
0xfb: {  	s21 =	spop (v2sf)  }
0xfc: {  	s21 =	sand.u32 $0x7, s21  }
0xfd: {  	s28 =	sshra.s32 s18, $0x2;
	s22 =	spop (v2sf);
	s23 =	sshll.u32 s21, $0x7  }
0xfe: {  	s22 =	sand.u32 $0x7, s22;
	s23 =	sadd.s32 s28, s23  }
0xff: {  	s22 =	sshll.u32 s22, $0x7;
	v4 =	vld [tilespmem:s23+$0xAA80]  }
0x100: {  	s22 =	sadd.s32 s28, s22;
	v6 =	vld [tilespmem:s23+$0xAA90]  }
0x101: {  	v5 =	vld [tilespmem:s22+$0xAE80]  }
0x102: {  	v7 =	vld [tilespmem:s22+$0xAE90]  }
0x103: {  	v8 =	vld [tilespmem:s23+$0xAAA0]  }
0x104: {  	v9 =	vld [tilespmem:s22+$0xAEA0]  }
0x105: {  	v10 =	vld [tilespmem:s23+$0xAAB0]  }
0x106: {  	v11 =	vld [tilespmem:s22+$0xAEB0]  }
0x107: {  	v4 =	vsub.f32 v4, v5;
	v32 =	vsub.f32 v6, v7;
	_ =	sdelay $0x1  }
0x108: {  	v8 =	vsub.f32 v8, v9;
	v33 =	vmul.f32 v4, v4;
	v7 =	vmul.f32 v32, v32  }
0x109: {  	(v2sf) =	vpush v3, $0x2  }
0x10a: {  	v35 =	vsub.f32 v10, v11;
	v34 =	vmul.f32 v8, v8;
	v6 =	vadd.f32 v7, v33;
	_ =	sdelay $0x1  }
0x10b: {  	v36 =	vmul.f32 v35, v35;
	v6 =	vadd.f32 v34, v6;
	_ =	sdelay $0x1  }
0x10c: {  	v6 =	vadd.f32 v36, v6;
	_ =	sdelay $0x1  }
0x10d: {  	(xrf2) =	vadd.scan.msk.f32 $0xffff, v6;
	_ =	sdelay $0x5  }
0x10e: {  	v37 =	vmov s19;
	_ =	sdelay $0x1  }
0x10f: {  	s29 =	spop (v2sf)  }
0x110: {  	s22 =	sand.u32 $0x7, s29  }
0x111: {  	s22 =	sshll.u32 s22, $0x7;
	v38, _, _ =	vpop (xrf2)  }
0x112: {  	s22 =	sadd.s32 s28, s22;
	[tilespmem:v37+s10+$0x0] =	vst.idx.msk vm0, v38  }
0x113: {  	v7 =	vld [tilespmem:s22+$0xB280]  }
0x114: {  	v39 =	vld [tilespmem:s22+$0xB290];
	_ =	sdelay $0x1  }
0x115: {  	v40 =	vld [tilespmem:s22+$0xB2A0];
	_ =	sdelay $0x1  }
0x116: {  	v12 =	vld [tilespmem:s22+$0xB2B0]  }
0x117: {  	v13 =	vmul.f32 v7, v4;
	v14 =	vmul.f32 v39, v32  }
0x118: {  	v7 =	vmul.f32 v7, v7;
	v10 =	vmul.f32 v39, v39  }
0x119: {  	(v2sf) =	vpush v3, $0x3;
	v41 =	vmul.f32 v40, v8;
	v13 =	vadd.f32 v14, v13  }
0x11a: {  	v42 =	vmul.f32 v40, v40;
	v7 =	vadd.f32 v10, v7  }
0x11b: {  	v44 =	vmul.f32 v12, v35;
	v43 =	vadd.f32 v41, v13  }
0x11c: {  	v45 =	vmul.f32 v12, v12;
	v7 =	vadd.f32 v42, v7  }
0x11d: {  	v11 =	vadd.f32 v44, v43  }
0x11e: {  	v7 =	vadd.f32 v45, v7  }
0x11f: {  	(xrf2) =	vadd.scan.msk.f32 $0xffff, v11  }
0x120: {  	(xrf2) =	vadd.scan.msk.f32 $0xffff, v7;
	_ =	sdelay $0x4  }
0x121: {  	v46 =	vor.u32 $0x10, v37  }
0x122: {  	v47 =	vor.u32 $0x40, v37;
	_ =	sdelay $0x1  }
0x123: {  	s30 =	spop (v2sf)  }
0x124: {  	s22 =	sand.u32 $0x7, s30;
	v11, _, _ =	vpop (xrf2)  }
0x125: {  	s22 =	sshll.u32 s22, $0x7;
	[tilespmem:v46+s10+$0x0] =	vst.idx.msk vm0, v11;
	v48, _, _ =	vpop (xrf2)  }
0x126: {  	s22 =	sadd.s32 s28, s22;
	[tilespmem:v47+s10+$0x0] =	vst.idx.msk vm0, v48  }
0x127: {  	v7 =	vld [tilespmem:s22+$0xB680]  }
0x128: {  	v10 =	vld [tilespmem:s22+$0xB690];
	_ =	sdelay $0x1  }
0x129: {  	v11 =	vld [tilespmem:s22+$0xB6A0];
	_ =	sdelay $0x1  }
0x12a: {  	v49 =	vld [tilespmem:s22+$0xB6B0]  }
0x12b: {  	v50 =	vmul.f32 v7, v4;
	v51 =	vmul.f32 v10, v32  }
0x12c: {  	v7 =	vmul.f32 v7, v7;
	v10 =	vmul.f32 v10, v10  }
0x12d: {  	(v2sf) =	vpush v3, $0x4;
	v3 =	vmul.f32 v11, v8;
	v13 =	vadd.f32 v51, v50  }
0x12e: {  	v52 =	vmul.f32 v11, v11;
	v7 =	vadd.f32 v10, v7  }
0x12f: {  	v53 =	vmul.f32 v49, v35;
	v3 =	vadd.f32 v3, v13  }
0x130: {  	v54 =	vmul.f32 v49, v49;
	v7 =	vadd.f32 v52, v7  }
0x131: {  	v3 =	vadd.f32 v53, v3  }
0x132: {  	v7 =	vadd.f32 v54, v7  }
0x133: {  	(xrf2) =	vadd.scan.msk.f32 $0xffff, v3  }
0x134: {  	(xrf2) =	vadd.scan.msk.f32 $0xffff, v7;
	_ =	sdelay $0x4  }
0x135: {  	v3 =	vor.u32 $0x20, v37  }
0x136: {  	v55 =	vor.u32 $0x50, v37;
	_ =	sdelay $0x1  }
0x137: {  	s31 =	spop (v2sf)  }
0x138: {  	s22 =	sand.u32 $0x7, s31;
	v56, _, _ =	vpop (xrf2)  }
0x139: {  	s22 =	sshll.u32 s22, $0x7;
	[tilespmem:v3+s10+$0x0] =	vst.idx.msk vm0, v56;
	v3, _, _ =	vpop (xrf2)  }
0x13a: {  	s21 =	sadd.s32 s28, s22;
	[tilespmem:v55+s10+$0x0] =	vst.idx.msk vm0, v3  }
0x13b: {  	v3 =	vld [tilespmem:s21+$0xBA80]  }
0x13c: {  	v7 =	vld [tilespmem:s21+$0xBA90];
	_ =	sdelay $0x1  }
0x13d: {  	v10 =	vld [tilespmem:s21+$0xBAA0];
	_ =	sdelay $0x1  }
0x13e: {  	v57 =	vld [tilespmem:s21+$0xBAB0]  }
0x13f: {  	v4 =	vmul.f32 v3, v4;
	v5 =	vmul.f32 v7, v32  }
0x140: {  	v3 =	vmul.f32 v3, v3;
	v7 =	vmul.f32 v7, v7  }
0x141: {  	v58 =	vmul.f32 v10, v8;
	v4 =	vadd.f32 v5, v4  }
0x142: {  	v59 =	vmul.f32 v10, v10;
	v3 =	vadd.f32 v7, v3  }
0x143: {  	v60 =	vmul.f32 v57, v35;
	v4 =	vadd.f32 v58, v4  }
0x144: {  	v61 =	vmul.f32 v57, v57;
	v3 =	vadd.f32 v59, v3  }
0x145: {  	v4 =	vadd.f32 v60, v4  }
0x146: {  	v3 =	vadd.f32 v61, v3  }
0x147: {  	(xrf2) =	vadd.scan.msk.f32 $0xffff, v4  }
0x148: {  	(xrf2) =	vadd.scan.msk.f32 $0xffff, v3;
	_ =	sdelay $0x4  }
0x149: {  	v3 =	vor.u32 $0x30, v37  }
0x14a: {  	p0 =	sne.s32 s18, $0x23000;
	v62 =	vor.u32 $0x60, v37  }
.Ltmp5:
0x14b: {  	_ = 	snop;
	(pc) =	sbr.rel @p0 .LBB2_13-.Ltmp5, $4  }
0x14c: {  	_ = 	snop  }
0x14d: {  	v63, _, _ =	vpop (xrf2)  }
0x14e: {  	[tilespmem:v3+s10+$0x0] =	vst.idx.msk vm0, v63;
	v3, _, _ =	vpop (xrf2)  }
0x14f: {  	s20 =	sadd.s32 $0x5, s20;
	s19 =	sadd.s32 $0x1, s19;
	s18 =	sadd.s32 $0x5000, s18;
	[tilespmem:v62+s10+$0x0] =	vst.idx.msk vm0, v3  }
0x150: {  	v3 =	vld [tilespmem:$0x14A80]  }
0x151: {  	v4 =	vld [tilespmem:$0x14AC0];
	_ =	sdelay $0x3  }
0x152: {  	v5 =	vshrl.u32 v3, $0x1  }
0x153: {  	v6 =	vmul.f32 $5.000000000e-01, v3;
	v7 =	vshrl.u32 v4, $0x1;
	v8 =	vmul.f32 $5.000000000e-01, v4  }
0x154: {  	v5 =	vsub.s32 $0x5F3759DF, v5;
	v7 =	vsub.s32 $0x5F3759DF, v7  }
0x155: {  	v9 =	vmul.f32 v5, v6;
	v10 =	vmul.f32 v7, v8;
	_ =	sdelay $0x1  }
0x156: {  	v9 =	vmul.f32 v5, v9;
	v10 =	vmul.f32 v7, v10;
	_ =	sdelay $0x1  }
0x157: {  	v9 =	vsub.f32 $1.500000000e+00, v9;
	v10 =	vsub.f32 $1.500000000e+00, v10;
	_ =	sdelay $0x1  }
0x158: {  	v5 =	vmul.f32 v5, v9;
	v7 =	vmul.f32 v7, v10;
	_ =	sdelay $0x1  }
0x159: {  	v9 =	vmul.f32 v5, v6;
	v10 =	vmul.f32 v7, v8;
	_ =	sdelay $0x1  }
0x15a: {  	v9 =	vmul.f32 v9, v5;
	v10 =	vmul.f32 v10, v7;
	_ =	sdelay $0x1  }
0x15b: {  	v9 =	vsub.f32 $1.500000000e+00, v9;
	v10 =	vsub.f32 $1.500000000e+00, v10;
	_ =	sdelay $0x1  }
0x15c: {  	v5 =	vmul.f32 v9, v5;
	v7 =	vmul.f32 v10, v7;
	_ =	sdelay $0x1  }
0x15d: {  	v6 =	vmul.f32 v5, v6;
	v8 =	vmul.f32 v7, v8;
	_ =	sdelay $0x1  }
0x15e: {  	v6 =	vmul.f32 v6, v5;
	v8 =	vmul.f32 v8, v7;
	_ =	sdelay $0x1  }
0x15f: {  	v6 =	vsub.f32 $1.500000000e+00, v6;
	v8 =	vsub.f32 $1.500000000e+00, v8;
	_ =	sdelay $0x1  }
0x160: {  	v5 =	vmul.f32 v6, v5;
	v52 =	vmul.f32 v8, v7;
	_ =	sdelay $0x1  }
0x161: {  	v3 =	vmul.f32 v5, v3;
	v4 =	vmul.f32 v52, v4;
	_ =	sdelay $0x1  }
0x162: {  	v3 =	vmax.f32 v3, $1.000000010e-10;
	v4 =	vmax.f32 v4, $1.000000010e-10  }
0x163: {  	v4 =	vmul.f32 v4, v3;
	_ =	sdelay $0x1  }
0x164: {  	(erf) = vrcp.f32 v4;
	_ =	sdelay $0x4  }
0x165: {  	v53 =	vld [tilespmem:$0x14A90];
	_ =	sdelay $0x3  }
0x166: {  	v54 =	vpop (erf)  }
0x167: {  	v4 =	vmul.f32 v54, v53;
	_ =	sdelay $0x1  }
0x168: {  	[tilespmem:v0+s12+$0x0] =	vst.idx.msk $0xffff, v4  }
0x169: {  	v4 =	vld [tilespmem:$0x14AD0];
	_ =	sdelay $0x4  }
0x16a: {  	v55 =	vshrl.u32 v4, $0x1;
	v56 =	vmul.f32 $5.000000000e-01, v4  }
0x16b: {  	v5 =	vsub.s32 $0x5F3759DF, v55  }
0x16c: {  	v57 =	vmul.f32 v5, v56;
	_ =	sdelay $0x1  }
0x16d: {  	v7 =	vmul.f32 v5, v57;
	_ =	sdelay $0x1  }
0x16e: {  	v7 =	vsub.f32 $1.500000000e+00, v7;
	_ =	sdelay $0x1  }
0x16f: {  	v5 =	vmul.f32 v5, v7;
	_ =	sdelay $0x1  }
0x170: {  	v7 =	vmul.f32 v5, v56;
	_ =	sdelay $0x1  }
0x171: {  	v7 =	vmul.f32 v7, v5;
	_ =	sdelay $0x1  }
0x172: {  	v7 =	vsub.f32 $1.500000000e+00, v7;
	_ =	sdelay $0x1  }
0x173: {  	v5 =	vmul.f32 v7, v5;
	_ =	sdelay $0x1  }
0x174: {  	v6 =	vmul.f32 v5, v56;
	_ =	sdelay $0x1  }
0x175: {  	v6 =	vmul.f32 v6, v5;
	_ =	sdelay $0x1  }
0x176: {  	v6 =	vsub.f32 $1.500000000e+00, v6;
	_ =	sdelay $0x1  }
0x177: {  	v5 =	vmul.f32 v6, v5;
	_ =	sdelay $0x1  }
0x178: {  	v4 =	vmul.f32 v5, v4;
	_ =	sdelay $0x1  }
0x179: {  	v4 =	vmax.f32 v4, $1.000000010e-10  }
0x17a: {  	v4 =	vmul.f32 v4, v3;
	_ =	sdelay $0x1  }
0x17b: {  	(erf) = vrcp.f32 v4;
	_ =	sdelay $0x4  }
0x17c: {  	v58 =	vld [tilespmem:$0x14AA0];
	_ =	sdelay $0x3  }
0x17d: {  	v59 =	vpop (erf)  }
0x17e: {  	v4 =	vmul.f32 v59, v58;
	_ =	sdelay $0x1  }
0x17f: {  	[tilespmem:v1+s12+$0x0] =	vst.idx.msk $0xffff, v4  }
0x180: {  	v4 =	vld [tilespmem:$0x14AE0];
	_ =	sdelay $0x4  }
0x181: {  	v60 =	vshrl.u32 v4, $0x1;
	v61 =	vmul.f32 $5.000000000e-01, v4  }
0x182: {  	v5 =	vsub.s32 $0x5F3759DF, v60  }
0x183: {  	v62 =	vmul.f32 v5, v61;
	_ =	sdelay $0x1  }
0x184: {  	v7 =	vmul.f32 v5, v62;
	_ =	sdelay $0x1  }
0x185: {  	v7 =	vsub.f32 $1.500000000e+00, v7;
	_ =	sdelay $0x1  }
0x186: {  	v5 =	vmul.f32 v5, v7;
	_ =	sdelay $0x1  }
0x187: {  	v7 =	vmul.f32 v5, v61;
	_ =	sdelay $0x1  }
0x188: {  	v7 =	vmul.f32 v7, v5;
	_ =	sdelay $0x1  }
0x189: {  	v7 =	vsub.f32 $1.500000000e+00, v7;
	_ =	sdelay $0x1  }
0x18a: {  	v5 =	vmul.f32 v7, v5;
	_ =	sdelay $0x1  }
0x18b: {  	v6 =	vmul.f32 v5, v61;
	_ =	sdelay $0x1  }
0x18c: {  	v6 =	vmul.f32 v6, v5;
	_ =	sdelay $0x1  }
0x18d: {  	v6 =	vsub.f32 $1.500000000e+00, v6;
	_ =	sdelay $0x1  }
0x18e: {  	v5 =	vmul.f32 v6, v5;
	_ =	sdelay $0x1  }
0x18f: {  	v4 =	vmul.f32 v5, v4;
	_ =	sdelay $0x1  }
0x190: {  	v4 =	vmax.f32 v4, $1.000000010e-10  }
0x191: {  	v3 =	vmul.f32 v4, v3;
	_ =	sdelay $0x1  }
0x192: {  	(erf) = vrcp.f32 v3;
	_ =	sdelay $0x4  }
0x193: {  	v3 =	vld [tilespmem:$0x14AB0];
	_ =	sdelay $0x1  }
0x194: {  	s18 =	sshll.u32 s17, $0x4  }
0x195: {  	s18 =	sadd.s32 s5, s18  }
0x196: {  	s18 =	smul.u32 $0x3, s18;
	v63 =	vpop (erf)  }
0x197: {  	s17 =	sadd.s32 $0x1, s17;
	v3 =	vmul.f32 v63, v3  }
0x198: {  	p0 =	sne.s32 s17, $0x20;
	s18 =	sshrl.u32 s18, $0x3  }
.Ltmp6:
0x199: {  	s18 =	sadd.s32 s2, s18;
	[tilespmem:v2+s12+$0x0] =	vst.idx.msk $0xffff, v3;
	(pc) =	sbr.rel @p0 .LBB2_4-.Ltmp6, $4  }
0x19a: {  	[hbm4b:s18+s3] =	stream.linear.scatter [tilespmem:s12], [sflag:$0x3], $0x30, $0x38;
	[tilespmem:$0x14B80] =	vst v63  }
0x19b: {  	_ =	swait.ge [sflag:s8], $0x30  }
0x19c: {  	s15 =	sadd.s32 $0x50, s15;
	[sflag:s8] =	ssyncset.done $0x0  }
0x19d: {  	s14 =	sadd.s32 $0x50, s14;
	s16 =	sadd.s32 $0x50, s16;
	[sflag:s8] =	ssyncadd.s32 $0xFFFFFFD0  }
0x19e: {  	s13 =	sadd.s32 $0x1, s13  }
0x19f: {  	p0 =	sne.s32 s13, s7  }
.Ltmp7:
0x1a0: {  	_ = 	snop;
	(pc) =	sbr.rel @p0 .LBB2_1-.Ltmp7, $1  }
0x1a1: {  	_ =	sdelay $0x3  }
0x1a2: {  	_ =	sfence.sel $0x180000  }
0x1a3: {  	[bflag:$0x0] =	sbarrier.arrive $0xFFFF  }
0x1a4: {  	p0 =	sne.s32 s0, $0x0;
	_ =	strace $0x90000047  }
0x1a5: {  	s0 =	sadd.s32 @!p0 $0x100000, s1;
	[bflag:$0x2] =	sbarrier.arrive $0xFFFF  }
0x1a6: {  	[sflag:s0] =	ssyncadd.tile.s32 @!p0 $0x1;
	_ =	shalt  }
.Lfunc_end2:
_tile_overlayer_lowered:
.L_overlay_start_2:
0x1a7: {  	(tag) =	ssettag $0x2  }
0x1a8: {  	s0 =	rddreg [dreg:$0x0];
	s2 =	stileid.u32  }
0x1a9: {  	s1 =	rddreg [dreg:$0x1];
	p0 =	sne.s32 s2, $0x0  }
0x1aa: {  	s3 =	rddreg [dreg:$0x2];
	[bflag:$0x3] =	sbarrier.arrive $0xFFFF;
	s2 =	simm.s32 @!p0 $0x1C03  }
0x1ab: {  	[timem:s3], [sflag:s2] =	dma.local @!p0 [hbm:s0], s1  }
0x1ac: {  	s0 =	simm.s32 @!p0 $0x3  }
0x1ad: {  	_ =	swait.ge @!p0 [sflag:s0], s1  }
0x1ae: {  	s1 =	ssub.s32 @!p0 $0x0, s1;
	[sflag:s0] =	ssyncset.done @!p0 $0x0  }
0x1af: {  	[sflag:s0] =	ssyncadd.s32 @!p0 s1  }
0x1b0: {  	[bflag:$0x3] =	sbarrier.arrive $0xFFFF  }
0x1b1: {  	_ =	shalt  }

</sc_bundles>
